<compile_context>
chip_gen: v7x
topology: tpu7x:2x2x1
jax: 0.10.2.dev20260603
libtpu: 0.0.44.dev20260713+nightly
codegen_flags: <defaults>
</compile_context>

<pallas_src>
import dataclasses
import functools

import jax
import jax.numpy as jnp
from jax import lax
from jax.experimental import pallas as pl
from jax.experimental.pallas import tpu as pltpu
from jax.experimental.pallas import tpu_sc as plsc

_N = 10000
_E = 320000
_D = 128
_NC = 2
_NS = 16
_NW = _NC * _NS
_NPAD = 10240
_EPW = _E // _NW
_K = 80
_NCHUNK = -(-_EPW // _K)
_EPWP = _NCHUNK * _K
_RPT = _NPAD // _NS


def _sc_compiler_params():
    cp = pltpu.CompilerParams()
    if "needs_layout_passes" in pltpu.CompilerParams.__dataclass_fields__:
        cp = dataclasses.replace(cp, needs_layout_passes=False)
    return cp


def _sc_segment_sum(x, rowp, colp):
    mesh = plsc.VectorSubcoreMesh(core_axis_name="c", subcore_axis_name="s")

    @functools.partial(
        pl.kernel,
        compiler_params=_sc_compiler_params(),
        out_type=[
            jax.ShapeDtypeStruct((_NPAD, _D), jnp.float32),
            jax.ShapeDtypeStruct((_NPAD, _D), jnp.float32),
            jax.ShapeDtypeStruct((_NW * _NPAD,), jnp.float32),
        ],
        mesh=mesh,
        scratch_types=[
            pltpu.VMEM((_K,), jnp.int32),
            pltpu.VMEM((_K,), jnp.int32),
            pltpu.VMEM((_K,), jnp.int32),
            pltpu.VMEM((_K,), jnp.int32),
            pltpu.VMEM((_K, _D), jnp.float32),
            pltpu.VMEM((_K, _D), jnp.float32),
            pltpu.VMEM((_NPAD,), jnp.float32),
            pltpu.VMEM_SHARED((_NPAD, _D), jnp.float32),
            pltpu.SemaphoreType.DMA,
            pltpu.SemaphoreType.DMA,
            pltpu.SemaphoreType.DMA,
        ],
    )
    def sc_kernel(x_hbm, rowp_hbm, colp_hbm, sum0_out, sum1_out, cnt_out,
                  ridx0, cidx0, ridx1, cidx1, gbuf0, gbuf1, hist, acc,
                  sg0, sg1, sz):
        c = lax.axis_index("c")
        s = lax.axis_index("s")
        wid = c * _NS + s
        lo = s * _RPT
        cb = wid * _NCHUNK

        zero16 = jnp.zeros((16,), jnp.float32)
        one16 = jnp.ones((16,), jnp.float32)

        @pl.loop(0, _K)
        def _(r):
            for q in range(_D // 16):
                gbuf0.at[r, pl.ds(q * 16, 16)][...] = zero16

        for t in range(_RPT // _K):
            pltpu.async_copy(gbuf0, acc.at[pl.ds(lo + t * _K, _K)], sz)

        @pl.loop(0, _NPAD, step=16)
        def _(j):
            hist[pl.ds(j, 16)] = zero16

        for t in range(_RPT // _K):
            pltpu.make_async_copy(gbuf0, acc.at[pl.ds(lo + t * _K, _K)],
                                  sz).wait()

        plsc.subcore_barrier()

        def load_idx(j, ridx, cidx):
            off = (cb + j) * _K
            pltpu.async_copy(rowp_hbm.at[pl.ds(off, _K)], ridx, sz)
            pltpu.async_copy(colp_hbm.at[pl.ds(off, _K)], cidx, sz)
            pltpu.make_async_copy(rowp_hbm.at[pl.ds(off, _K)], ridx,
                                  sz).wait()
            pltpu.make_async_copy(colp_hbm.at[pl.ds(off, _K)], cidx,
                                  sz).wait()

        def consume(ridx, cidx, gbuf, sg):
            pltpu.make_async_copy(x_hbm.at[ridx], gbuf, sg).wait()
            pltpu.sync_copy(gbuf, acc.at[cidx], add=True)
            for q in range(_K // 16):
                idxv = cidx[pl.ds(q * 16, 16)]
                plsc.addupdate_scatter(hist, [idxv], one16)

        load_idx(0, ridx0, cidx0)
        pltpu.async_copy(x_hbm.at[ridx0], gbuf0, sg0)
        load_idx(1, ridx1, cidx1)
        pltpu.async_copy(x_hbm.at[ridx1], gbuf1, sg1)

        @pl.loop(0, (_NCHUNK - 3) // 2)
        def _(h):
            consume(ridx0, cidx0, gbuf0, sg0)
            load_idx(2 * h + 2, ridx0, cidx0)
            pltpu.async_copy(x_hbm.at[ridx0], gbuf0, sg0)
            consume(ridx1, cidx1, gbuf1, sg1)
            load_idx(2 * h + 3, ridx1, cidx1)
            pltpu.async_copy(x_hbm.at[ridx1], gbuf1, sg1)

        consume(ridx0, cidx0, gbuf0, sg0)
        load_idx(_NCHUNK - 1, ridx0, cidx0)
        pltpu.async_copy(x_hbm.at[ridx0], gbuf0, sg0)
        consume(ridx1, cidx1, gbuf1, sg1)
        consume(ridx0, cidx0, gbuf0, sg0)

        plsc.subcore_barrier()

        pltpu.async_copy(hist, cnt_out.at[pl.ds(wid * _NPAD, _NPAD)], sz)

        def out_slice(j, gbuf):
            pltpu.sync_copy(acc.at[pl.ds(j, _K)], gbuf)

            @pl.when(c == 0)
            def _():
                pltpu.sync_copy(gbuf, sum0_out.at[pl.ds(j, _K)])

            @pl.when(c == 1)
            def _():
                pltpu.sync_copy(gbuf, sum1_out.at[pl.ds(j, _K)])

        @pl.loop(0, _RPT, step=_K)
        def _(j):
            out_slice(lo + j, gbuf0)

        pltpu.make_async_copy(hist, cnt_out.at[pl.ds(wid * _NPAD, _NPAD)],
                              sz).wait()

    return sc_kernel(x, rowp, colp)


def _tc_finish(x_pad, w_t, b2, sum0, sum1, cnt_t):
    blk = 1024

    def body(x_ref, wt_ref, b_ref, s0_ref, s1_ref, c_ref, o_ref):
        ssum = s0_ref[...] + s1_ref[...]
        cc = jnp.sum(c_ref[...], axis=1, keepdims=True)
        m = jnp.where(cc > 0.0, ssum / jnp.maximum(cc, 1.0), x_ref[...])
        o_ref[...] = jnp.dot(
            m, wt_ref[...], preferred_element_type=jnp.float32,
            precision=lax.Precision.HIGHEST,
        ) + b_ref[...]

    return pl.pallas_call(
        body,
        grid=(_NPAD // blk,),
        in_specs=[
            pl.BlockSpec((blk, _D), lambda i: (i, 0)),
            pl.BlockSpec((_D, _D), lambda i: (0, 0)),
            pl.BlockSpec((1, _D), lambda i: (0, 0)),
            pl.BlockSpec((blk, _D), lambda i: (i, 0)),
            pl.BlockSpec((blk, _D), lambda i: (i, 0)),
            pl.BlockSpec((blk, _NW), lambda i: (i, 0)),
        ],
        out_specs=pl.BlockSpec((blk, _D), lambda i: (i, 0)),
        out_shape=jax.ShapeDtypeStruct((_NPAD, _D), jnp.float32),
    )(x_pad, w_t, b2, sum0, sum1, cnt_t)


@jax.jit
def kernel(x, edge_index, W, b):
    row = edge_index[0]
    col = edge_index[1]
    pad = _EPWP - _EPW
    rowp = jnp.pad(row.reshape(_NW, _EPW), ((0, 0), (0, pad))
                   ).reshape(_NW, _NCHUNK, _K)
    colp = jnp.pad(col.reshape(_NW, _EPW), ((0, 0), (0, pad)),
                   constant_values=_NPAD - 1).reshape(_NW, _NCHUNK, _K)
    sum0, sum1, cnth = _sc_segment_sum(x, rowp.reshape(-1), colp.reshape(-1))
    cnt_t = cnth.reshape(_NW, _NPAD).T
    x_pad = jnp.pad(x, ((0, _NPAD - _N), (0, 0)))
    out_pad = _tc_finish(x_pad, W.T, b.reshape(1, _D), sum0, sum1, cnt_t)
    return out_pad[:_N]

# --- scband reference (transcript-rebuilt; emitter-appended) ---
"""Pipeline reference for scband-custom-gcnlayer-13692355740141 (READ-ONLY COPY).

The authoritative reference and input builder live on the scoring server;
editing this copy changes nothing except your own understanding.
"""

import jax, jax.numpy as jnp
import numpy as np

N = 10000
E = 320000
D = 128

def setup_inputs(seed: int = 0) -> dict:
    key = jax.random.key(seed)
    k1, k2, k3, k4 = jax.random.split(key, 4)
    x = jax.random.normal(k1, (N, D), dtype=jnp.float32)
    edge_index = jax.random.randint(k2, (2, E), 0, N, dtype=jnp.int32)
    # nn.Linear params: weight [out, in], bias [out]
    W = jax.random.uniform(k3, (D, D), dtype=jnp.float32, minval=-1.0, maxval=1.0) / jnp.sqrt(D)
    b = jax.random.uniform(k4, (D,), dtype=jnp.float32, minval=-1.0, maxval=1.0) / jnp.sqrt(D)
    return {"x": x, "edge_index": edge_index, "W": W, "b": b}

def reference(x, edge_index, W, b):
    row = edge_index[0]
    col = edge_index[1]
    # x = self.linear(x)
    h = x @ W.T + b
    # mean aggregation over incoming neighbors per dst node i (col == i):
    # out[i] = mean(h[row[col == i]]) if any edges point to i, else h[i]
    gathered = jnp.take(h, row, axis=0)
    summed = jax.ops.segment_sum(gathered, col, num_segments=N)
    counts = jax.ops.segment_sum(jnp.ones((E,), dtype=h.dtype), col, num_segments=N)
    has_nb = (counts > 0)[:, None]
    mean = summed / jnp.maximum(counts, 1.0)[:, None]
    out = jnp.where(has_nb, mean, h)
    return out

if __name__ == "__main__":
    import jax
    _d = setup_inputs()
    print(jax.jit(kernel)(*tuple(_d.values())))

</pallas_src>

<mosaic_0001>
#map = affine_map<(d0, d1) -> (0, 0)>
#map1 = affine_map<(d0, d1) -> (0)>
module attributes {stable_mosaic.version = 14 : i64} {
  func.func @sc_kernel(%arg0: i32, %arg1: i32, %arg2: memref<10000x128xf32, #tpu.memory_space<hbm>>, %arg3: memref<320000xi32, #tpu.memory_space<hbm>>, %arg4: memref<320000xi32, #tpu.memory_space<hbm>>, %arg5: memref<10240x128xf32, #tpu.memory_space<hbm>>, %arg6: memref<10240x128xf32, #tpu.memory_space<hbm>>, %arg7: memref<327680xf32, #tpu.memory_space<hbm>>, %arg8: memref<80xi32, #tpu.memory_space<vmem>>, %arg9: memref<80xi32, #tpu.memory_space<vmem>>, %arg10: memref<80xi32, #tpu.memory_space<vmem>>, %arg11: memref<80xi32, #tpu.memory_space<vmem>>, %arg12: memref<80x128xf32, #tpu.memory_space<vmem>>, %arg13: memref<80x128xf32, #tpu.memory_space<vmem>>, %arg14: memref<10240xf32, #tpu.memory_space<vmem>>, %arg15: memref<10240x128xf32, #tpu.memory_space<vmem_shared>>, %arg16: memref<!tpu.dma_semaphore, #tpu.memory_space<semaphore_mem>>, %arg17: memref<!tpu.dma_semaphore, #tpu.memory_space<semaphore_mem>>, %arg18: memref<!tpu.dma_semaphore, #tpu.memory_space<semaphore_mem>>) attributes {dimension_semantics = [#tpu.dimension_semantics<core_parallel>, #tpu.dimension_semantics<subcore_parallel>], iteration_bounds = array<i64: 2, 16>, scalar_prefetch = 0 : i64, scratch_operands = 11 : i64, tpu.core_type = #tpu.core_type<sc_vector_subcore>, window_params = [{transform_indices = #map}, {transform_indices = #map1}, {transform_indices = #map1}, {transform_indices = #map}, {transform_indices = #map}, {transform_indices = #map1}]} {
    %mul3A = arith.constant 16 : i32
    %mul3A_0 = arith.muli %arg0, %mul3A : i32
    %add3A = arith.addi %mul3A_0, %arg1 : i32
    %mul3A_1 = arith.constant 640 : i32
    %mul3A_2 = arith.muli %arg1, %mul3A_1 : i32
    %mul3A_3 = arith.constant 125 : i32
    %mul3A_4 = arith.muli %add3A, %mul3A_3 : i32
    %broadcast_in_dim3A = arith.constant 0.000000e+00 : f32
    %broadcast_in_dim3A_5 = vector.broadcast %broadcast_in_dim3A : f32 to vector<16xf32>
    %broadcast_in_dim3A_6 = arith.constant 1.000000e+00 : f32
    %broadcast_in_dim3A_7 = vector.broadcast %broadcast_in_dim3A_6 : f32 to vector<16xf32>
    %scan3A = arith.constant 0 : i32
    %scan3A_8 = arith.constant 80 : i32
    %scan3A_9 = arith.addi %scan3A, %scan3A_8 : i32
    %scan3A_10 = arith.constant 1 : i32
    scf.for %scan3A_213 = %scan3A to %scan3A_9 step %scan3A_10  : i32 {
      %mul3A_214 = arith.constant 1 : i32
      %mul3A_215 = arith.muli %scan3A_213, %mul3A_214 : i32
      %add3A_216 = arith.constant 0 : i32
      %add3A_217 = arith.addi %add3A_216, %mul3A_215 : i32
      %swap3A = arith.index_cast %add3A_217 : i32 to index
      %swap3A_218 = arith.constant 0 : index
      %swap3A_219 = tpu.vector_load %arg12[%swap3A, %swap3A_218] {strides = array<i32>} : memref<80x128xf32, #tpu.memory_space<vmem>>, vector<16xf32>,
      tpu.vector_store %arg12[%swap3A, %swap3A_218], %broadcast_in_dim3A_5 {strides = array<i32>} : memref<80x128xf32, #tpu.memory_space<vmem>>, vector<16xf32>,
      %swap3A_220 = arith.index_cast %add3A_217 : i32 to index
      %swap3A_221 = arith.constant 16 : index
      %swap3A_222 = tpu.vector_load %arg12[%swap3A_220, %swap3A_221] {strides = array<i32>} : memref<80x128xf32, #tpu.memory_space<vmem>>, vector<16xf32>,
      tpu.vector_store %arg12[%swap3A_220, %swap3A_221], %broadcast_in_dim3A_5 {strides = array<i32>} : memref<80x128xf32, #tpu.memory_space<vmem>>, vector<16xf32>,
      %swap3A_223 = arith.index_cast %add3A_217 : i32 to index
      %swap3A_224 = arith.constant 32 : index
      %swap3A_225 = tpu.vector_load %arg12[%swap3A_223, %swap3A_224] {strides = array<i32>} : memref<80x128xf32, #tpu.memory_space<vmem>>, vector<16xf32>,
      tpu.vector_store %arg12[%swap3A_223, %swap3A_224], %broadcast_in_dim3A_5 {strides = array<i32>} : memref<80x128xf32, #tpu.memory_space<vmem>>, vector<16xf32>,
      %swap3A_226 = arith.index_cast %add3A_217 : i32 to index
      %swap3A_227 = arith.constant 48 : index
      %swap3A_228 = tpu.vector_load %arg12[%swap3A_226, %swap3A_227] {strides = array<i32>} : memref<80x128xf32, #tpu.memory_space<vmem>>, vector<16xf32>,
      tpu.vector_store %arg12[%swap3A_226, %swap3A_227], %broadcast_in_dim3A_5 {strides = array<i32>} : memref<80x128xf32, #tpu.memory_space<vmem>>, vector<16xf32>,
      %swap3A_229 = arith.index_cast %add3A_217 : i32 to index
      %swap3A_230 = arith.constant 64 : index
      %swap3A_231 = tpu.vector_load %arg12[%swap3A_229, %swap3A_230] {strides = array<i32>} : memref<80x128xf32, #tpu.memory_space<vmem>>, vector<16xf32>,
      tpu.vector_store %arg12[%swap3A_229, %swap3A_230], %broadcast_in_dim3A_5 {strides = array<i32>} : memref<80x128xf32, #tpu.memory_space<vmem>>, vector<16xf32>,
      %swap3A_232 = arith.index_cast %add3A_217 : i32 to index
      %swap3A_233 = arith.constant 80 : index
      %swap3A_234 = tpu.vector_load %arg12[%swap3A_232, %swap3A_233] {strides = array<i32>} : memref<80x128xf32, #tpu.memory_space<vmem>>, vector<16xf32>,
      tpu.vector_store %arg12[%swap3A_232, %swap3A_233], %broadcast_in_dim3A_5 {strides = array<i32>} : memref<80x128xf32, #tpu.memory_space<vmem>>, vector<16xf32>,
      %swap3A_235 = arith.index_cast %add3A_217 : i32 to index
      %swap3A_236 = arith.constant 96 : index
      %swap3A_237 = tpu.vector_load %arg12[%swap3A_235, %swap3A_236] {strides = array<i32>} : memref<80x128xf32, #tpu.memory_space<vmem>>, vector<16xf32>,
      tpu.vector_store %arg12[%swap3A_235, %swap3A_236], %broadcast_in_dim3A_5 {strides = array<i32>} : memref<80x128xf32, #tpu.memory_space<vmem>>, vector<16xf32>,
      %swap3A_238 = arith.index_cast %add3A_217 : i32 to index
      %swap3A_239 = arith.constant 112 : index
      %swap3A_240 = tpu.vector_load %arg12[%swap3A_238, %swap3A_239] {strides = array<i32>} : memref<80x128xf32, #tpu.memory_space<vmem>>, vector<16xf32>,
      tpu.vector_store %arg12[%swap3A_238, %swap3A_239], %broadcast_in_dim3A_5 {strides = array<i32>} : memref<80x128xf32, #tpu.memory_space<vmem>>, vector<16xf32>,
    }
    %scan3A_11 = arith.constant 80 : i32
    %add3A_12 = arith.constant 0 : i32
    %add3A_13 = arith.addi %mul3A_2, %add3A_12 : i32
    %dma_start3A = arith.constant 0 : i32
    %dma_start3A_14 = tpu.memref_slice %arg15[%add3A_13, %dma_start3A] : memref<10240x128xf32, #tpu.memory_space<vmem_shared>> -> memref<80x128xf32, #tpu.memory_space<vmem_shared>>
    %dma_start3A_15 = arith.constant 0 : i32
    %dma_start3A_16 = tpu.memref_slice %arg15[%add3A_13, %dma_start3A_15] : memref<10240x128xf32, #tpu.memory_space<vmem_shared>> -> memref<80x128xf32, #tpu.memory_space<vmem_shared>>
    tpu.enqueue_dma source(%arg12 : memref<80x128xf32, #tpu.memory_space<vmem>>) target(%dma_start3A_16 : memref<80x128xf32, #tpu.memory_space<vmem_shared>>) target_semaphore(%arg18 : memref<!tpu.dma_semaphore, #tpu.memory_space<semaphore_mem>>)
    %add3A_17 = arith.constant 80 : i32
    %add3A_18 = arith.addi %mul3A_2, %add3A_17 : i32
    %dma_start3A_19 = arith.constant 0 : i32
    %dma_start3A_20 = tpu.memref_slice %arg15[%add3A_18, %dma_start3A_19] : memref<10240x128xf32, #tpu.memory_space<vmem_shared>> -> memref<80x128xf32, #tpu.memory_space<vmem_shared>>
    %dma_start3A_21 = arith.constant 0 : i32
    %dma_start3A_22 = tpu.memref_slice %arg15[%add3A_18, %dma_start3A_21] : memref<10240x128xf32, #tpu.memory_space<vmem_shared>> -> memref<80x128xf32, #tpu.memory_space<vmem_shared>>
    tpu.enqueue_dma source(%arg12 : memref<80x128xf32, #tpu.memory_space<vmem>>) target(%dma_start3A_22 : memref<80x128xf32, #tpu.memory_space<vmem_shared>>) target_semaphore(%arg18 : memref<!tpu.dma_semaphore, #tpu.memory_space<semaphore_mem>>)
    %add3A_23 = arith.constant 160 : i32
    %add3A_24 = arith.addi %mul3A_2, %add3A_23 : i32
    %dma_start3A_25 = arith.constant 0 : i32
    %dma_start3A_26 = tpu.memref_slice %arg15[%add3A_24, %dma_start3A_25] : memref<10240x128xf32, #tpu.memory_space<vmem_shared>> -> memref<80x128xf32, #tpu.memory_space<vmem_shared>>
    %dma_start3A_27 = arith.constant 0 : i32
    %dma_start3A_28 = tpu.memref_slice %arg15[%add3A_24, %dma_start3A_27] : memref<10240x128xf32, #tpu.memory_space<vmem_shared>> -> memref<80x128xf32, #tpu.memory_space<vmem_shared>>
    tpu.enqueue_dma source(%arg12 : memref<80x128xf32, #tpu.memory_space<vmem>>) target(%dma_start3A_28 : memref<80x128xf32, #tpu.memory_space<vmem_shared>>) target_semaphore(%arg18 : memref<!tpu.dma_semaphore, #tpu.memory_space<semaphore_mem>>)
    %add3A_29 = arith.constant 240 : i32
    %add3A_30 = arith.addi %mul3A_2, %add3A_29 : i32
    %dma_start3A_31 = arith.constant 0 : i32
    %dma_start3A_32 = tpu.memref_slice %arg15[%add3A_30, %dma_start3A_31] : memref<10240x128xf32, #tpu.memory_space<vmem_shared>> -> memref<80x128xf32, #tpu.memory_space<vmem_shared>>
    %dma_start3A_33 = arith.constant 0 : i32
    %dma_start3A_34 = tpu.memref_slice %arg15[%add3A_30, %dma_start3A_33] : memref<10240x128xf32, #tpu.memory_space<vmem_shared>> -> memref<80x128xf32, #tpu.memory_space<vmem_shared>>
    tpu.enqueue_dma source(%arg12 : memref<80x128xf32, #tpu.memory_space<vmem>>) target(%dma_start3A_34 : memref<80x128xf32, #tpu.memory_space<vmem_shared>>) target_semaphore(%arg18 : memref<!tpu.dma_semaphore, #tpu.memory_space<semaphore_mem>>)
    %add3A_35 = arith.constant 320 : i32
    %add3A_36 = arith.addi %mul3A_2, %add3A_35 : i32
    %dma_start3A_37 = arith.constant 0 : i32
    %dma_start3A_38 = tpu.memref_slice %arg15[%add3A_36, %dma_start3A_37] : memref<10240x128xf32, #tpu.memory_space<vmem_shared>> -> memref<80x128xf32, #tpu.memory_space<vmem_shared>>
    %dma_start3A_39 = arith.constant 0 : i32
    %dma_start3A_40 = tpu.memref_slice %arg15[%add3A_36, %dma_start3A_39] : memref<10240x128xf32, #tpu.memory_space<vmem_shared>> -> memref<80x128xf32, #tpu.memory_space<vmem_shared>>
    tpu.enqueue_dma source(%arg12 : memref<80x128xf32, #tpu.memory_space<vmem>>) target(%dma_start3A_40 : memref<80x128xf32, #tpu.memory_space<vmem_shared>>) target_semaphore(%arg18 : memref<!tpu.dma_semaphore, #tpu.memory_space<semaphore_mem>>)
    %add3A_41 = arith.constant 400 : i32
    %add3A_42 = arith.addi %mul3A_2, %add3A_41 : i32
    %dma_start3A_43 = arith.constant 0 : i32
    %dma_start3A_44 = tpu.memref_slice %arg15[%add3A_42, %dma_start3A_43] : memref<10240x128xf32, #tpu.memory_space<vmem_shared>> -> memref<80x128xf32, #tpu.memory_space<vmem_shared>>
    %dma_start3A_45 = arith.constant 0 : i32
    %dma_start3A_46 = tpu.memref_slice %arg15[%add3A_42, %dma_start3A_45] : memref<10240x128xf32, #tpu.memory_space<vmem_shared>> -> memref<80x128xf32, #tpu.memory_space<vmem_shared>>
    tpu.enqueue_dma source(%arg12 : memref<80x128xf32, #tpu.memory_space<vmem>>) target(%dma_start3A_46 : memref<80x128xf32, #tpu.memory_space<vmem_shared>>) target_semaphore(%arg18 : memref<!tpu.dma_semaphore, #tpu.memory_space<semaphore_mem>>)
    %add3A_47 = arith.constant 480 : i32
    %add3A_48 = arith.addi %mul3A_2, %add3A_47 : i32
    %dma_start3A_49 = arith.constant 0 : i32
    %dma_start3A_50 = tpu.memref_slice %arg15[%add3A_48, %dma_start3A_49] : memref<10240x128xf32, #tpu.memory_space<vmem_shared>> -> memref<80x128xf32, #tpu.memory_space<vmem_shared>>
    %dma_start3A_51 = arith.constant 0 : i32
    %dma_start3A_52 = tpu.memref_slice %arg15[%add3A_48, %dma_start3A_51] : memref<10240x128xf32, #tpu.memory_space<vmem_shared>> -> memref<80x128xf32, #tpu.memory_space<vmem_shared>>
    tpu.enqueue_dma source(%arg12 : memref<80x128xf32, #tpu.memory_space<vmem>>) target(%dma_start3A_52 : memref<80x128xf32, #tpu.memory_space<vmem_shared>>) target_semaphore(%arg18 : memref<!tpu.dma_semaphore, #tpu.memory_space<semaphore_mem>>)
    %add3A_53 = arith.constant 560 : i32
    %add3A_54 = arith.addi %mul3A_2, %add3A_53 : i32
    %dma_start3A_55 = arith.constant 0 : i32
    %dma_start3A_56 = tpu.memref_slice %arg15[%add3A_54, %dma_start3A_55] : memref<10240x128xf32, #tpu.memory_space<vmem_shared>> -> memref<80x128xf32, #tpu.memory_space<vmem_shared>>
    %dma_start3A_57 = arith.constant 0 : i32
    %dma_start3A_58 = tpu.memref_slice %arg15[%add3A_54, %dma_start3A_57] : memref<10240x128xf32, #tpu.memory_space<vmem_shared>> -> memref<80x128xf32, #tpu.memory_space<vmem_shared>>
    tpu.enqueue_dma source(%arg12 : memref<80x128xf32, #tpu.memory_space<vmem>>) target(%dma_start3A_58 : memref<80x128xf32, #tpu.memory_space<vmem_shared>>) target_semaphore(%arg18 : memref<!tpu.dma_semaphore, #tpu.memory_space<semaphore_mem>>)
    %scan3A_59 = arith.constant 0 : i32
    %scan3A_60 = arith.constant 640 : i32
    %scan3A_61 = arith.addi %scan3A_59, %scan3A_60 : i32
    %scan3A_62 = arith.constant 1 : i32
    scf.for %scan3A_213 = %scan3A_59 to %scan3A_61 step %scan3A_62  : i32 {
      %mul3A_214 = arith.constant 16 : i32
      %mul3A_215 = arith.muli %scan3A_213, %mul3A_214 : i32
      %add3A_216 = arith.constant 0 : i32
      %add3A_217 = arith.addi %add3A_216, %mul3A_215 : i32
      %swap3A = arith.index_cast %add3A_217 : i32 to index
      %swap3A_218 = tpu.vector_load %arg14[%swap3A] {strides = array<i32>} : memref<10240xf32, #tpu.memory_space<vmem>>, vector<16xf32>,
      tpu.vector_store %arg14[%swap3A], %broadcast_in_dim3A_5 {strides = array<i32>} : memref<10240xf32, #tpu.memory_space<vmem>>, vector<16xf32>,
    }
    %scan3A_63 = arith.constant 640 : i32
    %add3A_64 = arith.constant 0 : i32
    %add3A_65 = arith.addi %mul3A_2, %add3A_64 : i32
    %dma_wait3A = arith.constant 0 : i32
    %dma_wait3A_66 = tpu.memref_slice %arg15[%add3A_65, %dma_wait3A] : memref<10240x128xf32, #tpu.memory_space<vmem_shared>> -> memref<80x128xf32, #tpu.memory_space<vmem_shared>>
    %dma_wait3A_67 = arith.constant 0 : i32
    %dma_wait3A_68 = tpu.memref_slice %arg15[%add3A_65, %dma_wait3A_67] : memref<10240x128xf32, #tpu.memory_space<vmem_shared>> -> memref<80x128xf32, #tpu.memory_space<vmem_shared>>
    tpu.wait_dma2 semaphore(%arg18 : memref<!tpu.dma_semaphore, #tpu.memory_space<semaphore_mem>>) src(%arg12 : memref<80x128xf32, #tpu.memory_space<vmem>>) dst(%dma_wait3A_68 : memref<80x128xf32, #tpu.memory_space<vmem_shared>>)
    %add3A_69 = arith.constant 80 : i32
    %add3A_70 = arith.addi %mul3A_2, %add3A_69 : i32
    %dma_wait3A_71 = arith.constant 0 : i32
    %dma_wait3A_72 = tpu.memref_slice %arg15[%add3A_70, %dma_wait3A_71] : memref<10240x128xf32, #tpu.memory_space<vmem_shared>> -> memref<80x128xf32, #tpu.memory_space<vmem_shared>>
    %dma_wait3A_73 = arith.constant 0 : i32
    %dma_wait3A_74 = tpu.memref_slice %arg15[%add3A_70, %dma_wait3A_73] : memref<10240x128xf32, #tpu.memory_space<vmem_shared>> -> memref<80x128xf32, #tpu.memory_space<vmem_shared>>
    tpu.wait_dma2 semaphore(%arg18 : memref<!tpu.dma_semaphore, #tpu.memory_space<semaphore_mem>>) src(%arg12 : memref<80x128xf32, #tpu.memory_space<vmem>>) dst(%dma_wait3A_74 : memref<80x128xf32, #tpu.memory_space<vmem_shared>>)
    %add3A_75 = arith.constant 160 : i32
    %add3A_76 = arith.addi %mul3A_2, %add3A_75 : i32
    %dma_wait3A_77 = arith.constant 0 : i32
    %dma_wait3A_78 = tpu.memref_slice %arg15[%add3A_76, %dma_wait3A_77] : memref<10240x128xf32, #tpu.memory_space<vmem_shared>> -> memref<80x128xf32, #tpu.memory_space<vmem_shared>>
    %dma_wait3A_79 = arith.constant 0 : i32
    %dma_wait3A_80 = tpu.memref_slice %arg15[%add3A_76, %dma_wait3A_79] : memref<10240x128xf32, #tpu.memory_space<vmem_shared>> -> memref<80x128xf32, #tpu.memory_space<vmem_shared>>
    tpu.wait_dma2 semaphore(%arg18 : memref<!tpu.dma_semaphore, #tpu.memory_space<semaphore_mem>>) src(%arg12 : memref<80x128xf32, #tpu.memory_space<vmem>>) dst(%dma_wait3A_80 : memref<80x128xf32, #tpu.memory_space<vmem_shared>>)
    %add3A_81 = arith.constant 240 : i32
    %add3A_82 = arith.addi %mul3A_2, %add3A_81 : i32
    %dma_wait3A_83 = arith.constant 0 : i32
    %dma_wait3A_84 = tpu.memref_slice %arg15[%add3A_82, %dma_wait3A_83] : memref<10240x128xf32, #tpu.memory_space<vmem_shared>> -> memref<80x128xf32, #tpu.memory_space<vmem_shared>>
    %dma_wait3A_85 = arith.constant 0 : i32
    %dma_wait3A_86 = tpu.memref_slice %arg15[%add3A_82, %dma_wait3A_85] : memref<10240x128xf32, #tpu.memory_space<vmem_shared>> -> memref<80x128xf32, #tpu.memory_space<vmem_shared>>
    tpu.wait_dma2 semaphore(%arg18 : memref<!tpu.dma_semaphore, #tpu.memory_space<semaphore_mem>>) src(%arg12 : memref<80x128xf32, #tpu.memory_space<vmem>>) dst(%dma_wait3A_86 : memref<80x128xf32, #tpu.memory_space<vmem_shared>>)
    %add3A_87 = arith.constant 320 : i32
    %add3A_88 = arith.addi %mul3A_2, %add3A_87 : i32
    %dma_wait3A_89 = arith.constant 0 : i32
    %dma_wait3A_90 = tpu.memref_slice %arg15[%add3A_88, %dma_wait3A_89] : memref<10240x128xf32, #tpu.memory_space<vmem_shared>> -> memref<80x128xf32, #tpu.memory_space<vmem_shared>>
    %dma_wait3A_91 = arith.constant 0 : i32
    %dma_wait3A_92 = tpu.memref_slice %arg15[%add3A_88, %dma_wait3A_91] : memref<10240x128xf32, #tpu.memory_space<vmem_shared>> -> memref<80x128xf32, #tpu.memory_space<vmem_shared>>
    tpu.wait_dma2 semaphore(%arg18 : memref<!tpu.dma_semaphore, #tpu.memory_space<semaphore_mem>>) src(%arg12 : memref<80x128xf32, #tpu.memory_space<vmem>>) dst(%dma_wait3A_92 : memref<80x128xf32, #tpu.memory_space<vmem_shared>>)
    %add3A_93 = arith.constant 400 : i32
    %add3A_94 = arith.addi %mul3A_2, %add3A_93 : i32
    %dma_wait3A_95 = arith.constant 0 : i32
    %dma_wait3A_96 = tpu.memref_slice %arg15[%add3A_94, %dma_wait3A_95] : memref<10240x128xf32, #tpu.memory_space<vmem_shared>> -> memref<80x128xf32, #tpu.memory_space<vmem_shared>>
    %dma_wait3A_97 = arith.constant 0 : i32
    %dma_wait3A_98 = tpu.memref_slice %arg15[%add3A_94, %dma_wait3A_97] : memref<10240x128xf32, #tpu.memory_space<vmem_shared>> -> memref<80x128xf32, #tpu.memory_space<vmem_shared>>
    tpu.wait_dma2 semaphore(%arg18 : memref<!tpu.dma_semaphore, #tpu.memory_space<semaphore_mem>>) src(%arg12 : memref<80x128xf32, #tpu.memory_space<vmem>>) dst(%dma_wait3A_98 : memref<80x128xf32, #tpu.memory_space<vmem_shared>>)
    %add3A_99 = arith.constant 480 : i32
    %add3A_100 = arith.addi %mul3A_2, %add3A_99 : i32
    %dma_wait3A_101 = arith.constant 0 : i32
    %dma_wait3A_102 = tpu.memref_slice %arg15[%add3A_100, %dma_wait3A_101] : memref<10240x128xf32, #tpu.memory_space<vmem_shared>> -> memref<80x128xf32, #tpu.memory_space<vmem_shared>>
    %dma_wait3A_103 = arith.constant 0 : i32
    %dma_wait3A_104 = tpu.memref_slice %arg15[%add3A_100, %dma_wait3A_103] : memref<10240x128xf32, #tpu.memory_space<vmem_shared>> -> memref<80x128xf32, #tpu.memory_space<vmem_shared>>
    tpu.wait_dma2 semaphore(%arg18 : memref<!tpu.dma_semaphore, #tpu.memory_space<semaphore_mem>>) src(%arg12 : memref<80x128xf32, #tpu.memory_space<vmem>>) dst(%dma_wait3A_104 : memref<80x128xf32, #tpu.memory_space<vmem_shared>>)
    %add3A_105 = arith.constant 560 : i32
    %add3A_106 = arith.addi %mul3A_2, %add3A_105 : i32
    %dma_wait3A_107 = arith.constant 0 : i32
    %dma_wait3A_108 = tpu.memref_slice %arg15[%add3A_106, %dma_wait3A_107] : memref<10240x128xf32, #tpu.memory_space<vmem_shared>> -> memref<80x128xf32, #tpu.memory_space<vmem_shared>>
    %dma_wait3A_109 = arith.constant 0 : i32
    %dma_wait3A_110 = tpu.memref_slice %arg15[%add3A_106, %dma_wait3A_109] : memref<10240x128xf32, #tpu.memory_space<vmem_shared>> -> memref<80x128xf32, #tpu.memory_space<vmem_shared>>
    tpu.wait_dma2 semaphore(%arg18 : memref<!tpu.dma_semaphore, #tpu.memory_space<semaphore_mem>>) src(%arg12 : memref<80x128xf32, #tpu.memory_space<vmem>>) dst(%dma_wait3A_110 : memref<80x128xf32, #tpu.memory_space<vmem_shared>>)
    %barrier3A = arith.constant 0 : index
    tpu.barrier barrier_id(%barrier3A)
    %add3A_111 = arith.constant 0 : i32
    %add3A_112 = arith.addi %mul3A_4, %add3A_111 : i32
    %mul3A_113 = arith.constant 80 : i32
    %mul3A_114 = arith.muli %add3A_112, %mul3A_113 : i32
    %dma_start3A_115 = tpu.memref_slice %arg3[%mul3A_114] : memref<320000xi32, #tpu.memory_space<hbm>> -> memref<80xi32, #tpu.memory_space<hbm>>
    %dma_start3A_116 = tpu.memref_slice %arg3[%mul3A_114] : memref<320000xi32, #tpu.memory_space<hbm>> -> memref<80xi32, #tpu.memory_space<hbm>>
    tpu.enqueue_dma source(%dma_start3A_116 : memref<80xi32, #tpu.memory_space<hbm>>) target(%arg8 : memref<80xi32, #tpu.memory_space<vmem>>) target_semaphore(%arg18 : memref<!tpu.dma_semaphore, #tpu.memory_space<semaphore_mem>>)
    %dma_start3A_117 = tpu.memref_slice %arg4[%mul3A_114] : memref<320000xi32, #tpu.memory_space<hbm>> -> memref<80xi32, #tpu.memory_space<hbm>>
    %dma_start3A_118 = tpu.memref_slice %arg4[%mul3A_114] : memref<320000xi32, #tpu.memory_space<hbm>> -> memref<80xi32, #tpu.memory_space<hbm>>
    tpu.enqueue_dma source(%dma_start3A_118 : memref<80xi32, #tpu.memory_space<hbm>>) target(%arg9 : memref<80xi32, #tpu.memory_space<vmem>>) target_semaphore(%arg18 : memref<!tpu.dma_semaphore, #tpu.memory_space<semaphore_mem>>)
    %dma_wait3A_119 = tpu.memref_slice %arg3[%mul3A_114] : memref<320000xi32, #tpu.memory_space<hbm>> -> memref<80xi32, #tpu.memory_space<hbm>>
    %dma_wait3A_120 = tpu.memref_slice %arg3[%mul3A_114] : memref<320000xi32, #tpu.memory_space<hbm>> -> memref<80xi32, #tpu.memory_space<hbm>>
    tpu.wait_dma2 semaphore(%arg18 : memref<!tpu.dma_semaphore, #tpu.memory_space<semaphore_mem>>) src(%dma_wait3A_120 : memref<80xi32, #tpu.memory_space<hbm>>) dst(%arg8 : memref<80xi32, #tpu.memory_space<vmem>>)
    %dma_wait3A_121 = tpu.memref_slice %arg4[%mul3A_114] : memref<320000xi32, #tpu.memory_space<hbm>> -> memref<80xi32, #tpu.memory_space<hbm>>
    %dma_wait3A_122 = tpu.memref_slice %arg4[%mul3A_114] : memref<320000xi32, #tpu.memory_space<hbm>> -> memref<80xi32, #tpu.memory_space<hbm>>
    tpu.wait_dma2 semaphore(%arg18 : memref<!tpu.dma_semaphore, #tpu.memory_space<semaphore_mem>>) src(%dma_wait3A_122 : memref<80xi32, #tpu.memory_space<hbm>>) dst(%arg9 : memref<80xi32, #tpu.memory_space<vmem>>)
    %dma_start3A_123 = arith.constant 0 : i32
    %dma_start3A_124 = arith.constant 0 : i32
    %dma_start3A_125 = tpu.memref_slice %arg2[%dma_start3A_123, %dma_start3A_124] : memref<10000x128xf32, #tpu.memory_space<hbm>> -> memref<10000x128xf32, #tpu.memory_space<hbm>>
    tpu.enqueue_indirect_dma source(%dma_start3A_125 : memref<10000x128xf32, #tpu.memory_space<hbm>>) target(%arg12 : memref<80x128xf32, #tpu.memory_space<vmem>>) offsets(%arg8 : memref<80xi32, #tpu.memory_space<vmem>>) semaphore(%arg16 : memref<!tpu.dma_semaphore, #tpu.memory_space<semaphore_mem>>)
    %add3A_126 = arith.constant 1 : i32
    %add3A_127 = arith.addi %mul3A_4, %add3A_126 : i32
    %mul3A_128 = arith.constant 80 : i32
    %mul3A_129 = arith.muli %add3A_127, %mul3A_128 : i32
    %dma_start3A_130 = tpu.memref_slice %arg3[%mul3A_129] : memref<320000xi32, #tpu.memory_space<hbm>> -> memref<80xi32, #tpu.memory_space<hbm>>
    %dma_start3A_131 = tpu.memref_slice %arg3[%mul3A_129] : memref<320000xi32, #tpu.memory_space<hbm>> -> memref<80xi32, #tpu.memory_space<hbm>>
    tpu.enqueue_dma source(%dma_start3A_131 : memref<80xi32, #tpu.memory_space<hbm>>) target(%arg10 : memref<80xi32, #tpu.memory_space<vmem>>) target_semaphore(%arg18 : memref<!tpu.dma_semaphore, #tpu.memory_space<semaphore_mem>>)
    %dma_start3A_132 = tpu.memref_slice %arg4[%mul3A_129] : memref<320000xi32, #tpu.memory_space<hbm>> -> memref<80xi32, #tpu.memory_space<hbm>>
    %dma_start3A_133 = tpu.memref_slice %arg4[%mul3A_129] : memref<320000xi32, #tpu.memory_space<hbm>> -> memref<80xi32, #tpu.memory_space<hbm>>
    tpu.enqueue_dma source(%dma_start3A_133 : memref<80xi32, #tpu.memory_space<hbm>>) target(%arg11 : memref<80xi32, #tpu.memory_space<vmem>>) target_semaphore(%arg18 : memref<!tpu.dma_semaphore, #tpu.memory_space<semaphore_mem>>)
    %dma_wait3A_134 = tpu.memref_slice %arg3[%mul3A_129] : memref<320000xi32, #tpu.memory_space<hbm>> -> memref<80xi32, #tpu.memory_space<hbm>>
    %dma_wait3A_135 = tpu.memref_slice %arg3[%mul3A_129] : memref<320000xi32, #tpu.memory_space<hbm>> -> memref<80xi32, #tpu.memory_space<hbm>>
    tpu.wait_dma2 semaphore(%arg18 : memref<!tpu.dma_semaphore, #tpu.memory_space<semaphore_mem>>) src(%dma_wait3A_135 : memref<80xi32, #tpu.memory_space<hbm>>) dst(%arg10 : memref<80xi32, #tpu.memory_space<vmem>>)
    %dma_wait3A_136 = tpu.memref_slice %arg4[%mul3A_129] : memref<320000xi32, #tpu.memory_space<hbm>> -> memref<80xi32, #tpu.memory_space<hbm>>
    %dma_wait3A_137 = tpu.memref_slice %arg4[%mul3A_129] : memref<320000xi32, #tpu.memory_space<hbm>> -> memref<80xi32, #tpu.memory_space<hbm>>
    tpu.wait_dma2 semaphore(%arg18 : memref<!tpu.dma_semaphore, #tpu.memory_space<semaphore_mem>>) src(%dma_wait3A_137 : memref<80xi32, #tpu.memory_space<hbm>>) dst(%arg11 : memref<80xi32, #tpu.memory_space<vmem>>)
    %dma_start3A_138 = arith.constant 0 : i32
    %dma_start3A_139 = arith.constant 0 : i32
    %dma_start3A_140 = tpu.memref_slice %arg2[%dma_start3A_138, %dma_start3A_139] : memref<10000x128xf32, #tpu.memory_space<hbm>> -> memref<10000x128xf32, #tpu.memory_space<hbm>>
    tpu.enqueue_indirect_dma source(%dma_start3A_140 : memref<10000x128xf32, #tpu.memory_space<hbm>>) target(%arg13 : memref<80x128xf32, #tpu.memory_space<vmem>>) offsets(%arg10 : memref<80xi32, #tpu.memory_space<vmem>>) semaphore(%arg17 : memref<!tpu.dma_semaphore, #tpu.memory_space<semaphore_mem>>)
    %scan3A_141 = arith.constant 0 : i32
    %scan3A_142 = arith.constant 61 : i32
    %scan3A_143 = arith.addi %scan3A_141, %scan3A_142 : i32
    %scan3A_144 = arith.constant 1 : i32
    scf.for %scan3A_213 = %scan3A_141 to %scan3A_143 step %scan3A_144  : i32 {
      %mul3A_214 = arith.constant 1 : i32
      %mul3A_215 = arith.muli %scan3A_213, %mul3A_214 : i32
      %add3A_216 = arith.constant 0 : i32
      %add3A_217 = arith.addi %add3A_216, %mul3A_215 : i32
      %dma_wait3A_218 = arith.constant 0 : i32
      %dma_wait3A_219 = arith.constant 0 : i32
      %dma_wait3A_220 = tpu.memref_slice %arg2[%dma_wait3A_218, %dma_wait3A_219] : memref<10000x128xf32, #tpu.memory_space<hbm>> -> memref<10000x128xf32, #tpu.memory_space<hbm>>
      tpu.wait_indirect_dma semaphore(%arg16 : memref<!tpu.dma_semaphore, #tpu.memory_space<semaphore_mem>>) src(%dma_wait3A_220 : memref<10000x128xf32, #tpu.memory_space<hbm>>) dst(%arg12 : memref<80x128xf32, #tpu.memory_space<vmem>>)
      "tpu.region"() ({
        %run_scoped3A = tpu.sem_alloc : memref<!tpu.dma_semaphore, #tpu.memory_space<semaphore_mem>>
        %dma_start3A_280 = arith.constant 0 : i32
        %dma_start3A_281 = arith.constant 0 : i32
        %dma_start3A_282 = tpu.memref_slice %arg15[%dma_start3A_280, %dma_start3A_281] : memref<10240x128xf32, #tpu.memory_space<vmem_shared>> -> memref<10240x128xf32, #tpu.memory_space<vmem_shared>>
        tpu.enqueue_indirect_dma source(%arg12 : memref<80x128xf32, #tpu.memory_space<vmem>>) target(%dma_start3A_282 : memref<10240x128xf32, #tpu.memory_space<vmem_shared>>) offsets(%arg9 : memref<80xi32, #tpu.memory_space<vmem>>) semaphore(%run_scoped3A : memref<!tpu.dma_semaphore, #tpu.memory_space<semaphore_mem>>) {add = true}
        %dma_wait3A_283 = arith.constant 0 : i32
        %dma_wait3A_284 = arith.constant 0 : i32
        %dma_wait3A_285 = tpu.memref_slice %arg15[%dma_wait3A_283, %dma_wait3A_284] : memref<10240x128xf32, #tpu.memory_space<vmem_shared>> -> memref<10240x128xf32, #tpu.memory_space<vmem_shared>>
        tpu.wait_indirect_dma semaphore(%run_scoped3A : memref<!tpu.dma_semaphore, #tpu.memory_space<semaphore_mem>>) src(%arg12 : memref<80x128xf32, #tpu.memory_space<vmem>>) dst(%dma_wait3A_285 : memref<10240x128xf32, #tpu.memory_space<vmem_shared>>)
        tpu.yield
      }) : () -> ()
      %get3A_221 = arith.constant 0 : index
      %get3A_222 = tpu.vector_load %arg9[%get3A_221] {strides = array<i32>} : memref<80xi32, #tpu.memory_space<vmem>>, vector<16xi32>,
      tpu.vector_store_idx %arg14[%get3A_222], %broadcast_in_dim3A_7 {add = true} : memref<10240xf32, #tpu.memory_space<vmem>>[vector<16xi32>], vector<16xf32>,
      %get3A_223 = arith.constant 16 : index
      %get3A_224 = tpu.vector_load %arg9[%get3A_223] {strides = array<i32>} : memref<80xi32, #tpu.memory_space<vmem>>, vector<16xi32>,
      tpu.vector_store_idx %arg14[%get3A_224], %broadcast_in_dim3A_7 {add = true} : memref<10240xf32, #tpu.memory_space<vmem>>[vector<16xi32>], vector<16xf32>,
      %get3A_225 = arith.constant 32 : index
      %get3A_226 = tpu.vector_load %arg9[%get3A_225] {strides = array<i32>} : memref<80xi32, #tpu.memory_space<vmem>>, vector<16xi32>,
      tpu.vector_store_idx %arg14[%get3A_226], %broadcast_in_dim3A_7 {add = true} : memref<10240xf32, #tpu.memory_space<vmem>>[vector<16xi32>], vector<16xf32>,
      %get3A_227 = arith.constant 48 : index
      %get3A_228 = tpu.vector_load %arg9[%get3A_227] {strides = array<i32>} : memref<80xi32, #tpu.memory_space<vmem>>, vector<16xi32>,
      tpu.vector_store_idx %arg14[%get3A_228], %broadcast_in_dim3A_7 {add = true} : memref<10240xf32, #tpu.memory_space<vmem>>[vector<16xi32>], vector<16xf32>,
      %get3A_229 = arith.constant 64 : index
      %get3A_230 = tpu.vector_load %arg9[%get3A_229] {strides = array<i32>} : memref<80xi32, #tpu.memory_space<vmem>>, vector<16xi32>,
      tpu.vector_store_idx %arg14[%get3A_230], %broadcast_in_dim3A_7 {add = true} : memref<10240xf32, #tpu.memory_space<vmem>>[vector<16xi32>], vector<16xf32>,
      %mul3A_231 = arith.constant 2 : i32
      %mul3A_232 = arith.muli %mul3A_231, %add3A_217 : i32
      %add3A_233 = arith.constant 2 : i32
      %add3A_234 = arith.addi %mul3A_232, %add3A_233 : i32
      %add3A_235 = arith.addi %mul3A_4, %add3A_234 : i32
      %mul3A_236 = arith.constant 80 : i32
      %mul3A_237 = arith.muli %add3A_235, %mul3A_236 : i32
      %dma_start3A_238 = tpu.memref_slice %arg3[%mul3A_237] : memref<320000xi32, #tpu.memory_space<hbm>> -> memref<80xi32, #tpu.memory_space<hbm>>
      %dma_start3A_239 = tpu.memref_slice %arg3[%mul3A_237] : memref<320000xi32, #tpu.memory_space<hbm>> -> memref<80xi32, #tpu.memory_space<hbm>>
      tpu.enqueue_dma source(%dma_start3A_239 : memref<80xi32, #tpu.memory_space<hbm>>) target(%arg8 : memref<80xi32, #tpu.memory_space<vmem>>) target_semaphore(%arg18 : memref<!tpu.dma_semaphore, #tpu.memory_space<semaphore_mem>>)
      %dma_start3A_240 = tpu.memref_slice %arg4[%mul3A_237] : memref<320000xi32, #tpu.memory_space<hbm>> -> memref<80xi32, #tpu.memory_space<hbm>>
      %dma_start3A_241 = tpu.memref_slice %arg4[%mul3A_237] : memref<320000xi32, #tpu.memory_space<hbm>> -> memref<80xi32, #tpu.memory_space<hbm>>
      tpu.enqueue_dma source(%dma_start3A_241 : memref<80xi32, #tpu.memory_space<hbm>>) target(%arg9 : memref<80xi32, #tpu.memory_space<vmem>>) target_semaphore(%arg18 : memref<!tpu.dma_semaphore, #tpu.memory_space<semaphore_mem>>)
      %dma_wait3A_242 = tpu.memref_slice %arg3[%mul3A_237] : memref<320000xi32, #tpu.memory_space<hbm>> -> memref<80xi32, #tpu.memory_space<hbm>>
      %dma_wait3A_243 = tpu.memref_slice %arg3[%mul3A_237] : memref<320000xi32, #tpu.memory_space<hbm>> -> memref<80xi32, #tpu.memory_space<hbm>>
      tpu.wait_dma2 semaphore(%arg18 : memref<!tpu.dma_semaphore, #tpu.memory_space<semaphore_mem>>) src(%dma_wait3A_243 : memref<80xi32, #tpu.memory_space<hbm>>) dst(%arg8 : memref<80xi32, #tpu.memory_space<vmem>>)
      %dma_wait3A_244 = tpu.memref_slice %arg4[%mul3A_237] : memref<320000xi32, #tpu.memory_space<hbm>> -> memref<80xi32, #tpu.memory_space<hbm>>
      %dma_wait3A_245 = tpu.memref_slice %arg4[%mul3A_237] : memref<320000xi32, #tpu.memory_space<hbm>> -> memref<80xi32, #tpu.memory_space<hbm>>
      tpu.wait_dma2 semaphore(%arg18 : memref<!tpu.dma_semaphore, #tpu.memory_space<semaphore_mem>>) src(%dma_wait3A_245 : memref<80xi32, #tpu.memory_space<hbm>>) dst(%arg9 : memref<80xi32, #tpu.memory_space<vmem>>)
      %dma_start3A_246 = arith.constant 0 : i32
      %dma_start3A_247 = arith.constant 0 : i32
      %dma_start3A_248 = tpu.memref_slice %arg2[%dma_start3A_246, %dma_start3A_247] : memref<10000x128xf32, #tpu.memory_space<hbm>> -> memref<10000x128xf32, #tpu.memory_space<hbm>>
      tpu.enqueue_indirect_dma source(%dma_start3A_248 : memref<10000x128xf32, #tpu.memory_space<hbm>>) target(%arg12 : memref<80x128xf32, #tpu.memory_space<vmem>>) offsets(%arg8 : memref<80xi32, #tpu.memory_space<vmem>>) semaphore(%arg16 : memref<!tpu.dma_semaphore, #tpu.memory_space<semaphore_mem>>)
      %dma_wait3A_249 = arith.constant 0 : i32
      %dma_wait3A_250 = arith.constant 0 : i32
      %dma_wait3A_251 = tpu.memref_slice %arg2[%dma_wait3A_249, %dma_wait3A_250] : memref<10000x128xf32, #tpu.memory_space<hbm>> -> memref<10000x128xf32, #tpu.memory_space<hbm>>
      tpu.wait_indirect_dma semaphore(%arg17 : memref<!tpu.dma_semaphore, #tpu.memory_space<semaphore_mem>>) src(%dma_wait3A_251 : memref<10000x128xf32, #tpu.memory_space<hbm>>) dst(%arg13 : memref<80x128xf32, #tpu.memory_space<vmem>>)
      "tpu.region"() ({
        %run_scoped3A = tpu.sem_alloc : memref<!tpu.dma_semaphore, #tpu.memory_space<semaphore_mem>>
        %dma_start3A_280 = arith.constant 0 : i32
        %dma_start3A_281 = arith.constant 0 : i32
        %dma_start3A_282 = tpu.memref_slice %arg15[%dma_start3A_280, %dma_start3A_281] : memref<10240x128xf32, #tpu.memory_space<vmem_shared>> -> memref<10240x128xf32, #tpu.memory_space<vmem_shared>>
        tpu.enqueue_indirect_dma source(%arg13 : memref<80x128xf32, #tpu.memory_space<vmem>>) target(%dma_start3A_282 : memref<10240x128xf32, #tpu.memory_space<vmem_shared>>) offsets(%arg11 : memref<80xi32, #tpu.memory_space<vmem>>) semaphore(%run_scoped3A : memref<!tpu.dma_semaphore, #tpu.memory_space<semaphore_mem>>) {add = true}
        %dma_wait3A_283 = arith.constant 0 : i32
        %dma_wait3A_284 = arith.constant 0 : i32
        %dma_wait3A_285 = tpu.memref_slice %arg15[%dma_wait3A_283, %dma_wait3A_284] : memref<10240x128xf32, #tpu.memory_space<vmem_shared>> -> memref<10240x128xf32, #tpu.memory_space<vmem_shared>>
        tpu.wait_indirect_dma semaphore(%run_scoped3A : memref<!tpu.dma_semaphore, #tpu.memory_space<semaphore_mem>>) src(%arg13 : memref<80x128xf32, #tpu.memory_space<vmem>>) dst(%dma_wait3A_285 : memref<10240x128xf32, #tpu.memory_space<vmem_shared>>)
        tpu.yield
      }) : () -> ()
      %get3A_252 = arith.constant 0 : index
      %get3A_253 = tpu.vector_load %arg11[%get3A_252] {strides = array<i32>} : memref<80xi32, #tpu.memory_space<vmem>>, vector<16xi32>,
      tpu.vector_store_idx %arg14[%get3A_253], %broadcast_in_dim3A_7 {add = true} : memref<10240xf32, #tpu.memory_space<vmem>>[vector<16xi32>], vector<16xf32>,
      %get3A_254 = arith.constant 16 : index
      %get3A_255 = tpu.vector_load %arg11[%get3A_254] {strides = array<i32>} : memref<80xi32, #tpu.memory_space<vmem>>, vector<16xi32>,
      tpu.vector_store_idx %arg14[%get3A_255], %broadcast_in_dim3A_7 {add = true} : memref<10240xf32, #tpu.memory_space<vmem>>[vector<16xi32>], vector<16xf32>,
      %get3A_256 = arith.constant 32 : index
      %get3A_257 = tpu.vector_load %arg11[%get3A_256] {strides = array<i32>} : memref<80xi32, #tpu.memory_space<vmem>>, vector<16xi32>,
      tpu.vector_store_idx %arg14[%get3A_257], %broadcast_in_dim3A_7 {add = true} : memref<10240xf32, #tpu.memory_space<vmem>>[vector<16xi32>], vector<16xf32>,
      %get3A_258 = arith.constant 48 : index
      %get3A_259 = tpu.vector_load %arg11[%get3A_258] {strides = array<i32>} : memref<80xi32, #tpu.memory_space<vmem>>, vector<16xi32>,
      tpu.vector_store_idx %arg14[%get3A_259], %broadcast_in_dim3A_7 {add = true} : memref<10240xf32, #tpu.memory_space<vmem>>[vector<16xi32>], vector<16xf32>,
      %get3A_260 = arith.constant 64 : index
      %get3A_261 = tpu.vector_load %arg11[%get3A_260] {strides = array<i32>} : memref<80xi32, #tpu.memory_space<vmem>>, vector<16xi32>,
      tpu.vector_store_idx %arg14[%get3A_261], %broadcast_in_dim3A_7 {add = true} : memref<10240xf32, #tpu.memory_space<vmem>>[vector<16xi32>], vector<16xf32>,
      %mul3A_262 = arith.constant 2 : i32
      %mul3A_263 = arith.muli %mul3A_262, %add3A_217 : i32
      %add3A_264 = arith.constant 3 : i32
      %add3A_265 = arith.addi %mul3A_263, %add3A_264 : i32
      %add3A_266 = arith.addi %mul3A_4, %add3A_265 : i32
      %mul3A_267 = arith.constant 80 : i32
      %mul3A_268 = arith.muli %add3A_266, %mul3A_267 : i32
      %dma_start3A_269 = tpu.memref_slice %arg3[%mul3A_268] : memref<320000xi32, #tpu.memory_space<hbm>> -> memref<80xi32, #tpu.memory_space<hbm>>
      %dma_start3A_270 = tpu.memref_slice %arg3[%mul3A_268] : memref<320000xi32, #tpu.memory_space<hbm>> -> memref<80xi32, #tpu.memory_space<hbm>>
      tpu.enqueue_dma source(%dma_start3A_270 : memref<80xi32, #tpu.memory_space<hbm>>) target(%arg10 : memref<80xi32, #tpu.memory_space<vmem>>) target_semaphore(%arg18 : memref<!tpu.dma_semaphore, #tpu.memory_space<semaphore_mem>>)
      %dma_start3A_271 = tpu.memref_slice %arg4[%mul3A_268] : memref<320000xi32, #tpu.memory_space<hbm>> -> memref<80xi32, #tpu.memory_space<hbm>>
      %dma_start3A_272 = tpu.memref_slice %arg4[%mul3A_268] : memref<320000xi32, #tpu.memory_space<hbm>> -> memref<80xi32, #tpu.memory_space<hbm>>
      tpu.enqueue_dma source(%dma_start3A_272 : memref<80xi32, #tpu.memory_space<hbm>>) target(%arg11 : memref<80xi32, #tpu.memory_space<vmem>>) target_semaphore(%arg18 : memref<!tpu.dma_semaphore, #tpu.memory_space<semaphore_mem>>)
      %dma_wait3A_273 = tpu.memref_slice %arg3[%mul3A_268] : memref<320000xi32, #tpu.memory_space<hbm>> -> memref<80xi32, #tpu.memory_space<hbm>>
      %dma_wait3A_274 = tpu.memref_slice %arg3[%mul3A_268] : memref<320000xi32, #tpu.memory_space<hbm>> -> memref<80xi32, #tpu.memory_space<hbm>>
      tpu.wait_dma2 semaphore(%arg18 : memref<!tpu.dma_semaphore, #tpu.memory_space<semaphore_mem>>) src(%dma_wait3A_274 : memref<80xi32, #tpu.memory_space<hbm>>) dst(%arg10 : memref<80xi32, #tpu.memory_space<vmem>>)
      %dma_wait3A_275 = tpu.memref_slice %arg4[%mul3A_268] : memref<320000xi32, #tpu.memory_space<hbm>> -> memref<80xi32, #tpu.memory_space<hbm>>
      %dma_wait3A_276 = tpu.memref_slice %arg4[%mul3A_268] : memref<320000xi32, #tpu.memory_space<hbm>> -> memref<80xi32, #tpu.memory_space<hbm>>
      tpu.wait_dma2 semaphore(%arg18 : memref<!tpu.dma_semaphore, #tpu.memory_space<semaphore_mem>>) src(%dma_wait3A_276 : memref<80xi32, #tpu.memory_space<hbm>>) dst(%arg11 : memref<80xi32, #tpu.memory_space<vmem>>)
      %dma_start3A_277 = arith.constant 0 : i32
      %dma_start3A_278 = arith.constant 0 : i32
      %dma_start3A_279 = tpu.memref_slice %arg2[%dma_start3A_277, %dma_start3A_278] : memref<10000x128xf32, #tpu.memory_space<hbm>> -> memref<10000x128xf32, #tpu.memory_space<hbm>>
      tpu.enqueue_indirect_dma source(%dma_start3A_279 : memref<10000x128xf32, #tpu.memory_space<hbm>>) target(%arg13 : memref<80x128xf32, #tpu.memory_space<vmem>>) offsets(%arg10 : memref<80xi32, #tpu.memory_space<vmem>>) semaphore(%arg17 : memref<!tpu.dma_semaphore, #tpu.memory_space<semaphore_mem>>)
    }
    %scan3A_145 = arith.constant 61 : i32
    %dma_wait3A_146 = arith.constant 0 : i32
    %dma_wait3A_147 = arith.constant 0 : i32
    %dma_wait3A_148 = tpu.memref_slice %arg2[%dma_wait3A_146, %dma_wait3A_147] : memref<10000x128xf32, #tpu.memory_space<hbm>> -> memref<10000x128xf32, #tpu.memory_space<hbm>>
    tpu.wait_indirect_dma semaphore(%arg16 : memref<!tpu.dma_semaphore, #tpu.memory_space<semaphore_mem>>) src(%dma_wait3A_148 : memref<10000x128xf32, #tpu.memory_space<hbm>>) dst(%arg12 : memref<80x128xf32, #tpu.memory_space<vmem>>)
    "tpu.region"() ({
      %run_scoped3A = tpu.sem_alloc : memref<!tpu.dma_semaphore, #tpu.memory_space<semaphore_mem>>
      %dma_start3A_213 = arith.constant 0 : i32
      %dma_start3A_214 = arith.constant 0 : i32
      %dma_start3A_215 = tpu.memref_slice %arg15[%dma_start3A_213, %dma_start3A_214] : memref<10240x128xf32, #tpu.memory_space<vmem_shared>> -> memref<10240x128xf32, #tpu.memory_space<vmem_shared>>
      tpu.enqueue_indirect_dma source(%arg12 : memref<80x128xf32, #tpu.memory_space<vmem>>) target(%dma_start3A_215 : memref<10240x128xf32, #tpu.memory_space<vmem_shared>>) offsets(%arg9 : memref<80xi32, #tpu.memory_space<vmem>>) semaphore(%run_scoped3A : memref<!tpu.dma_semaphore, #tpu.memory_space<semaphore_mem>>) {add = true}
      %dma_wait3A_216 = arith.constant 0 : i32
      %dma_wait3A_217 = arith.constant 0 : i32
      %dma_wait3A_218 = tpu.memref_slice %arg15[%dma_wait3A_216, %dma_wait3A_217] : memref<10240x128xf32, #tpu.memory_space<vmem_shared>> -> memref<10240x128xf32, #tpu.memory_space<vmem_shared>>
      tpu.wait_indirect_dma semaphore(%run_scoped3A : memref<!tpu.dma_semaphore, #tpu.memory_space<semaphore_mem>>) src(%arg12 : memref<80x128xf32, #tpu.memory_space<vmem>>) dst(%dma_wait3A_218 : memref<10240x128xf32, #tpu.memory_space<vmem_shared>>)
      tpu.yield
    }) : () -> ()
    %get3A = arith.constant 0 : index
    %get3A_149 = tpu.vector_load %arg9[%get3A] {strides = array<i32>} : memref<80xi32, #tpu.memory_space<vmem>>, vector<16xi32>,
    tpu.vector_store_idx %arg14[%get3A_149], %broadcast_in_dim3A_7 {add = true} : memref<10240xf32, #tpu.memory_space<vmem>>[vector<16xi32>], vector<16xf32>,
    %get3A_150 = arith.constant 16 : index
    %get3A_151 = tpu.vector_load %arg9[%get3A_150] {strides = array<i32>} : memref<80xi32, #tpu.memory_space<vmem>>, vector<16xi32>,
    tpu.vector_store_idx %arg14[%get3A_151], %broadcast_in_dim3A_7 {add = true} : memref<10240xf32, #tpu.memory_space<vmem>>[vector<16xi32>], vector<16xf32>,
    %get3A_152 = arith.constant 32 : index
    %get3A_153 = tpu.vector_load %arg9[%get3A_152] {strides = array<i32>} : memref<80xi32, #tpu.memory_space<vmem>>, vector<16xi32>,
    tpu.vector_store_idx %arg14[%get3A_153], %broadcast_in_dim3A_7 {add = true} : memref<10240xf32, #tpu.memory_space<vmem>>[vector<16xi32>], vector<16xf32>,
    %get3A_154 = arith.constant 48 : index
    %get3A_155 = tpu.vector_load %arg9[%get3A_154] {strides = array<i32>} : memref<80xi32, #tpu.memory_space<vmem>>, vector<16xi32>,
    tpu.vector_store_idx %arg14[%get3A_155], %broadcast_in_dim3A_7 {add = true} : memref<10240xf32, #tpu.memory_space<vmem>>[vector<16xi32>], vector<16xf32>,
    %get3A_156 = arith.constant 64 : index
    %get3A_157 = tpu.vector_load %arg9[%get3A_156] {strides = array<i32>} : memref<80xi32, #tpu.memory_space<vmem>>, vector<16xi32>,
    tpu.vector_store_idx %arg14[%get3A_157], %broadcast_in_dim3A_7 {add = true} : memref<10240xf32, #tpu.memory_space<vmem>>[vector<16xi32>], vector<16xf32>,
    %add3A_158 = arith.constant 124 : i32
    %add3A_159 = arith.addi %mul3A_4, %add3A_158 : i32
    %mul3A_160 = arith.constant 80 : i32
    %mul3A_161 = arith.muli %add3A_159, %mul3A_160 : i32
    %dma_start3A_162 = tpu.memref_slice %arg3[%mul3A_161] : memref<320000xi32, #tpu.memory_space<hbm>> -> memref<80xi32, #tpu.memory_space<hbm>>
    %dma_start3A_163 = tpu.memref_slice %arg3[%mul3A_161] : memref<320000xi32, #tpu.memory_space<hbm>> -> memref<80xi32, #tpu.memory_space<hbm>>
    tpu.enqueue_dma source(%dma_start3A_163 : memref<80xi32, #tpu.memory_space<hbm>>) target(%arg8 : memref<80xi32, #tpu.memory_space<vmem>>) target_semaphore(%arg18 : memref<!tpu.dma_semaphore, #tpu.memory_space<semaphore_mem>>)
    %dma_start3A_164 = tpu.memref_slice %arg4[%mul3A_161] : memref<320000xi32, #tpu.memory_space<hbm>> -> memref<80xi32, #tpu.memory_space<hbm>>
    %dma_start3A_165 = tpu.memref_slice %arg4[%mul3A_161] : memref<320000xi32, #tpu.memory_space<hbm>> -> memref<80xi32, #tpu.memory_space<hbm>>
    tpu.enqueue_dma source(%dma_start3A_165 : memref<80xi32, #tpu.memory_space<hbm>>) target(%arg9 : memref<80xi32, #tpu.memory_space<vmem>>) target_semaphore(%arg18 : memref<!tpu.dma_semaphore, #tpu.memory_space<semaphore_mem>>)
    %dma_wait3A_166 = tpu.memref_slice %arg3[%mul3A_161] : memref<320000xi32, #tpu.memory_space<hbm>> -> memref<80xi32, #tpu.memory_space<hbm>>
    %dma_wait3A_167 = tpu.memref_slice %arg3[%mul3A_161] : memref<320000xi32, #tpu.memory_space<hbm>> -> memref<80xi32, #tpu.memory_space<hbm>>
    tpu.wait_dma2 semaphore(%arg18 : memref<!tpu.dma_semaphore, #tpu.memory_space<semaphore_mem>>) src(%dma_wait3A_167 : memref<80xi32, #tpu.memory_space<hbm>>) dst(%arg8 : memref<80xi32, #tpu.memory_space<vmem>>)
    %dma_wait3A_168 = tpu.memref_slice %arg4[%mul3A_161] : memref<320000xi32, #tpu.memory_space<hbm>> -> memref<80xi32, #tpu.memory_space<hbm>>
    %dma_wait3A_169 = tpu.memref_slice %arg4[%mul3A_161] : memref<320000xi32, #tpu.memory_space<hbm>> -> memref<80xi32, #tpu.memory_space<hbm>>
    tpu.wait_dma2 semaphore(%arg18 : memref<!tpu.dma_semaphore, #tpu.memory_space<semaphore_mem>>) src(%dma_wait3A_169 : memref<80xi32, #tpu.memory_space<hbm>>) dst(%arg9 : memref<80xi32, #tpu.memory_space<vmem>>)
    %dma_start3A_170 = arith.constant 0 : i32
    %dma_start3A_171 = arith.constant 0 : i32
    %dma_start3A_172 = tpu.memref_slice %arg2[%dma_start3A_170, %dma_start3A_171] : memref<10000x128xf32, #tpu.memory_space<hbm>> -> memref<10000x128xf32, #tpu.memory_space<hbm>>
    tpu.enqueue_indirect_dma source(%dma_start3A_172 : memref<10000x128xf32, #tpu.memory_space<hbm>>) target(%arg12 : memref<80x128xf32, #tpu.memory_space<vmem>>) offsets(%arg8 : memref<80xi32, #tpu.memory_space<vmem>>) semaphore(%arg16 : memref<!tpu.dma_semaphore, #tpu.memory_space<semaphore_mem>>)
    %dma_wait3A_173 = arith.constant 0 : i32
    %dma_wait3A_174 = arith.constant 0 : i32
    %dma_wait3A_175 = tpu.memref_slice %arg2[%dma_wait3A_173, %dma_wait3A_174] : memref<10000x128xf32, #tpu.memory_space<hbm>> -> memref<10000x128xf32, #tpu.memory_space<hbm>>
    tpu.wait_indirect_dma semaphore(%arg17 : memref<!tpu.dma_semaphore, #tpu.memory_space<semaphore_mem>>) src(%dma_wait3A_175 : memref<10000x128xf32, #tpu.memory_space<hbm>>) dst(%arg13 : memref<80x128xf32, #tpu.memory_space<vmem>>)
    "tpu.region"() ({
      %run_scoped3A = tpu.sem_alloc : memref<!tpu.dma_semaphore, #tpu.memory_space<semaphore_mem>>
      %dma_start3A_213 = arith.constant 0 : i32
      %dma_start3A_214 = arith.constant 0 : i32
      %dma_start3A_215 = tpu.memref_slice %arg15[%dma_start3A_213, %dma_start3A_214] : memref<10240x128xf32, #tpu.memory_space<vmem_shared>> -> memref<10240x128xf32, #tpu.memory_space<vmem_shared>>
      tpu.enqueue_indirect_dma source(%arg13 : memref<80x128xf32, #tpu.memory_space<vmem>>) target(%dma_start3A_215 : memref<10240x128xf32, #tpu.memory_space<vmem_shared>>) offsets(%arg11 : memref<80xi32, #tpu.memory_space<vmem>>) semaphore(%run_scoped3A : memref<!tpu.dma_semaphore, #tpu.memory_space<semaphore_mem>>) {add = true}
      %dma_wait3A_216 = arith.constant 0 : i32
      %dma_wait3A_217 = arith.constant 0 : i32
      %dma_wait3A_218 = tpu.memref_slice %arg15[%dma_wait3A_216, %dma_wait3A_217] : memref<10240x128xf32, #tpu.memory_space<vmem_shared>> -> memref<10240x128xf32, #tpu.memory_space<vmem_shared>>
      tpu.wait_indirect_dma semaphore(%run_scoped3A : memref<!tpu.dma_semaphore, #tpu.memory_space<semaphore_mem>>) src(%arg13 : memref<80x128xf32, #tpu.memory_space<vmem>>) dst(%dma_wait3A_218 : memref<10240x128xf32, #tpu.memory_space<vmem_shared>>)
      tpu.yield
    }) : () -> ()
    %get3A_176 = arith.constant 0 : index
    %get3A_177 = tpu.vector_load %arg11[%get3A_176] {strides = array<i32>} : memref<80xi32, #tpu.memory_space<vmem>>, vector<16xi32>,
    tpu.vector_store_idx %arg14[%get3A_177], %broadcast_in_dim3A_7 {add = true} : memref<10240xf32, #tpu.memory_space<vmem>>[vector<16xi32>], vector<16xf32>,
    %get3A_178 = arith.constant 16 : index
    %get3A_179 = tpu.vector_load %arg11[%get3A_178] {strides = array<i32>} : memref<80xi32, #tpu.memory_space<vmem>>, vector<16xi32>,
    tpu.vector_store_idx %arg14[%get3A_179], %broadcast_in_dim3A_7 {add = true} : memref<10240xf32, #tpu.memory_space<vmem>>[vector<16xi32>], vector<16xf32>,
    %get3A_180 = arith.constant 32 : index
    %get3A_181 = tpu.vector_load %arg11[%get3A_180] {strides = array<i32>} : memref<80xi32, #tpu.memory_space<vmem>>, vector<16xi32>,
    tpu.vector_store_idx %arg14[%get3A_181], %broadcast_in_dim3A_7 {add = true} : memref<10240xf32, #tpu.memory_space<vmem>>[vector<16xi32>], vector<16xf32>,
    %get3A_182 = arith.constant 48 : index
    %get3A_183 = tpu.vector_load %arg11[%get3A_182] {strides = array<i32>} : memref<80xi32, #tpu.memory_space<vmem>>, vector<16xi32>,
    tpu.vector_store_idx %arg14[%get3A_183], %broadcast_in_dim3A_7 {add = true} : memref<10240xf32, #tpu.memory_space<vmem>>[vector<16xi32>], vector<16xf32>,
    %get3A_184 = arith.constant 64 : index
    %get3A_185 = tpu.vector_load %arg11[%get3A_184] {strides = array<i32>} : memref<80xi32, #tpu.memory_space<vmem>>, vector<16xi32>,
    tpu.vector_store_idx %arg14[%get3A_185], %broadcast_in_dim3A_7 {add = true} : memref<10240xf32, #tpu.memory_space<vmem>>[vector<16xi32>], vector<16xf32>,
    %dma_wait3A_186 = arith.constant 0 : i32
    %dma_wait3A_187 = arith.constant 0 : i32
    %dma_wait3A_188 = tpu.memref_slice %arg2[%dma_wait3A_186, %dma_wait3A_187] : memref<10000x128xf32, #tpu.memory_space<hbm>> -> memref<10000x128xf32, #tpu.memory_space<hbm>>
    tpu.wait_indirect_dma semaphore(%arg16 : memref<!tpu.dma_semaphore, #tpu.memory_space<semaphore_mem>>) src(%dma_wait3A_188 : memref<10000x128xf32, #tpu.memory_space<hbm>>) dst(%arg12 : memref<80x128xf32, #tpu.memory_space<vmem>>)
    "tpu.region"() ({
      %run_scoped3A = tpu.sem_alloc : memref<!tpu.dma_semaphore, #tpu.memory_space<semaphore_mem>>
      %dma_start3A_213 = arith.constant 0 : i32
      %dma_start3A_214 = arith.constant 0 : i32
      %dma_start3A_215 = tpu.memref_slice %arg15[%dma_start3A_213, %dma_start3A_214] : memref<10240x128xf32, #tpu.memory_space<vmem_shared>> -> memref<10240x128xf32, #tpu.memory_space<vmem_shared>>
      tpu.enqueue_indirect_dma source(%arg12 : memref<80x128xf32, #tpu.memory_space<vmem>>) target(%dma_start3A_215 : memref<10240x128xf32, #tpu.memory_space<vmem_shared>>) offsets(%arg9 : memref<80xi32, #tpu.memory_space<vmem>>) semaphore(%run_scoped3A : memref<!tpu.dma_semaphore, #tpu.memory_space<semaphore_mem>>) {add = true}
      %dma_wait3A_216 = arith.constant 0 : i32
      %dma_wait3A_217 = arith.constant 0 : i32
      %dma_wait3A_218 = tpu.memref_slice %arg15[%dma_wait3A_216, %dma_wait3A_217] : memref<10240x128xf32, #tpu.memory_space<vmem_shared>> -> memref<10240x128xf32, #tpu.memory_space<vmem_shared>>
      tpu.wait_indirect_dma semaphore(%run_scoped3A : memref<!tpu.dma_semaphore, #tpu.memory_space<semaphore_mem>>) src(%arg12 : memref<80x128xf32, #tpu.memory_space<vmem>>) dst(%dma_wait3A_218 : memref<10240x128xf32, #tpu.memory_space<vmem_shared>>)
      tpu.yield
    }) : () -> ()
    %get3A_189 = arith.constant 0 : index
    %get3A_190 = tpu.vector_load %arg9[%get3A_189] {strides = array<i32>} : memref<80xi32, #tpu.memory_space<vmem>>, vector<16xi32>,
    tpu.vector_store_idx %arg14[%get3A_190], %broadcast_in_dim3A_7 {add = true} : memref<10240xf32, #tpu.memory_space<vmem>>[vector<16xi32>], vector<16xf32>,
    %get3A_191 = arith.constant 16 : index
    %get3A_192 = tpu.vector_load %arg9[%get3A_191] {strides = array<i32>} : memref<80xi32, #tpu.memory_space<vmem>>, vector<16xi32>,
    tpu.vector_store_idx %arg14[%get3A_192], %broadcast_in_dim3A_7 {add = true} : memref<10240xf32, #tpu.memory_space<vmem>>[vector<16xi32>], vector<16xf32>,
    %get3A_193 = arith.constant 32 : index
    %get3A_194 = tpu.vector_load %arg9[%get3A_193] {strides = array<i32>} : memref<80xi32, #tpu.memory_space<vmem>>, vector<16xi32>,
    tpu.vector_store_idx %arg14[%get3A_194], %broadcast_in_dim3A_7 {add = true} : memref<10240xf32, #tpu.memory_space<vmem>>[vector<16xi32>], vector<16xf32>,
    %get3A_195 = arith.constant 48 : index
    %get3A_196 = tpu.vector_load %arg9[%get3A_195] {strides = array<i32>} : memref<80xi32, #tpu.memory_space<vmem>>, vector<16xi32>,
    tpu.vector_store_idx %arg14[%get3A_196], %broadcast_in_dim3A_7 {add = true} : memref<10240xf32, #tpu.memory_space<vmem>>[vector<16xi32>], vector<16xf32>,
    %get3A_197 = arith.constant 64 : index
    %get3A_198 = tpu.vector_load %arg9[%get3A_197] {strides = array<i32>} : memref<80xi32, #tpu.memory_space<vmem>>, vector<16xi32>,
    tpu.vector_store_idx %arg14[%get3A_198], %broadcast_in_dim3A_7 {add = true} : memref<10240xf32, #tpu.memory_space<vmem>>[vector<16xi32>], vector<16xf32>,
    %barrier3A_199 = arith.constant 0 : index
    tpu.barrier barrier_id(%barrier3A_199)
    %mul3A_200 = arith.constant 10240 : i32
    %mul3A_201 = arith.muli %add3A, %mul3A_200 : i32
    %dma_start3A_202 = tpu.memref_slice %arg7[%mul3A_201] : memref<327680xf32, #tpu.memory_space<hbm>> -> memref<10240xf32, #tpu.memory_space<hbm>>
    %dma_start3A_203 = tpu.memref_slice %arg7[%mul3A_201] : memref<327680xf32, #tpu.memory_space<hbm>> -> memref<10240xf32, #tpu.memory_space<hbm>>
    tpu.enqueue_dma source(%arg14 : memref<10240xf32, #tpu.memory_space<vmem>>) target(%dma_start3A_203 : memref<10240xf32, #tpu.memory_space<hbm>>) target_semaphore(%arg18 : memref<!tpu.dma_semaphore, #tpu.memory_space<semaphore_mem>>)
    %scan3A_204 = arith.constant 0 : i32
    %scan3A_205 = arith.constant 8 : i32
    %scan3A_206 = arith.addi %scan3A_204, %scan3A_205 : i32
    %scan3A_207 = arith.constant 1 : i32
    scf.for %scan3A_213 = %scan3A_204 to %scan3A_206 step %scan3A_207  : i32 {
      %mul3A_214 = arith.constant 80 : i32
      %mul3A_215 = arith.muli %scan3A_213, %mul3A_214 : i32
      %add3A_216 = arith.constant 0 : i32
      %add3A_217 = arith.addi %add3A_216, %mul3A_215 : i32
      %add3A_218 = arith.addi %mul3A_2, %add3A_217 : i32
      "tpu.region"() ({
        %run_scoped3A = tpu.sem_alloc : memref<!tpu.dma_semaphore, #tpu.memory_space<semaphore_mem>>
        %dma_start3A_226 = arith.constant 0 : i32
        %dma_start3A_227 = tpu.memref_slice %arg15[%add3A_218, %dma_start3A_226] : memref<10240x128xf32, #tpu.memory_space<vmem_shared>> -> memref<80x128xf32, #tpu.memory_space<vmem_shared>>
        %dma_start3A_228 = arith.constant 0 : i32
        %dma_start3A_229 = tpu.memref_slice %arg15[%add3A_218, %dma_start3A_228] : memref<10240x128xf32, #tpu.memory_space<vmem_shared>> -> memref<80x128xf32, #tpu.memory_space<vmem_shared>>
        tpu.enqueue_dma source(%dma_start3A_229 : memref<80x128xf32, #tpu.memory_space<vmem_shared>>) target(%arg12 : memref<80x128xf32, #tpu.memory_space<vmem>>) target_semaphore(%run_scoped3A : memref<!tpu.dma_semaphore, #tpu.memory_space<semaphore_mem>>)
        %dma_wait3A_230 = arith.constant 0 : i32
        %dma_wait3A_231 = tpu.memref_slice %arg15[%add3A_218, %dma_wait3A_230] : memref<10240x128xf32, #tpu.memory_space<vmem_shared>> -> memref<80x128xf32, #tpu.memory_space<vmem_shared>>
        %dma_wait3A_232 = arith.constant 0 : i32
        %dma_wait3A_233 = tpu.memref_slice %arg15[%add3A_218, %dma_wait3A_232] : memref<10240x128xf32, #tpu.memory_space<vmem_shared>> -> memref<80x128xf32, #tpu.memory_space<vmem_shared>>
        tpu.wait_dma2 semaphore(%run_scoped3A : memref<!tpu.dma_semaphore, #tpu.memory_space<semaphore_mem>>) src(%dma_wait3A_233 : memref<80x128xf32, #tpu.memory_space<vmem_shared>>) dst(%arg12 : memref<80x128xf32, #tpu.memory_space<vmem>>)
        tpu.yield
      }) : () -> ()
      %eq3A = arith.constant 0 : i32
      %eq3A_219 = arith.cmpi eq, %arg0, %eq3A : i32
      %convert_element_type3A = arith.extui %eq3A_219 : i1 to i32
      %cond3A = arith.constant 0 : i32
      %cond3A_220 = arith.cmpi ne, %convert_element_type3A, %cond3A : i32
      scf.if %cond3A_220 {
        "tpu.region"() ({
          %run_scoped3A = tpu.sem_alloc : memref<!tpu.dma_semaphore, #tpu.memory_space<semaphore_mem>>
          %dma_start3A_226 = arith.constant 0 : i32
          %dma_start3A_227 = tpu.memref_slice %arg5[%add3A_218, %dma_start3A_226] : memref<10240x128xf32, #tpu.memory_space<hbm>> -> memref<80x128xf32, #tpu.memory_space<hbm>>
          %dma_start3A_228 = arith.constant 0 : i32
          %dma_start3A_229 = tpu.memref_slice %arg5[%add3A_218, %dma_start3A_228] : memref<10240x128xf32, #tpu.memory_space<hbm>> -> memref<80x128xf32, #tpu.memory_space<hbm>>
          tpu.enqueue_dma source(%arg12 : memref<80x128xf32, #tpu.memory_space<vmem>>) target(%dma_start3A_229 : memref<80x128xf32, #tpu.memory_space<hbm>>) target_semaphore(%run_scoped3A : memref<!tpu.dma_semaphore, #tpu.memory_space<semaphore_mem>>)
          %dma_wait3A_230 = arith.constant 0 : i32
          %dma_wait3A_231 = tpu.memref_slice %arg5[%add3A_218, %dma_wait3A_230] : memref<10240x128xf32, #tpu.memory_space<hbm>> -> memref<80x128xf32, #tpu.memory_space<hbm>>
          %dma_wait3A_232 = arith.constant 0 : i32
          %dma_wait3A_233 = tpu.memref_slice %arg5[%add3A_218, %dma_wait3A_232] : memref<10240x128xf32, #tpu.memory_space<hbm>> -> memref<80x128xf32, #tpu.memory_space<hbm>>
          tpu.wait_dma2 semaphore(%run_scoped3A : memref<!tpu.dma_semaphore, #tpu.memory_space<semaphore_mem>>) src(%arg12 : memref<80x128xf32, #tpu.memory_space<vmem>>) dst(%dma_wait3A_233 : memref<80x128xf32, #tpu.memory_space<hbm>>)
          tpu.yield
        }) : () -> ()
      } else {
      }
      %eq3A_221 = arith.constant 1 : i32
      %eq3A_222 = arith.cmpi eq, %arg0, %eq3A_221 : i32
      %convert_element_type3A_223 = arith.extui %eq3A_222 : i1 to i32
      %cond3A_224 = arith.constant 0 : i32
      %cond3A_225 = arith.cmpi ne, %convert_element_type3A_223, %cond3A_224 : i32
      scf.if %cond3A_225 {
        "tpu.region"() ({
          %run_scoped3A = tpu.sem_alloc : memref<!tpu.dma_semaphore, #tpu.memory_space<semaphore_mem>>
          %dma_start3A_226 = arith.constant 0 : i32
          %dma_start3A_227 = tpu.memref_slice %arg6[%add3A_218, %dma_start3A_226] : memref<10240x128xf32, #tpu.memory_space<hbm>> -> memref<80x128xf32, #tpu.memory_space<hbm>>
          %dma_start3A_228 = arith.constant 0 : i32
          %dma_start3A_229 = tpu.memref_slice %arg6[%add3A_218, %dma_start3A_228] : memref<10240x128xf32, #tpu.memory_space<hbm>> -> memref<80x128xf32, #tpu.memory_space<hbm>>
          tpu.enqueue_dma source(%arg12 : memref<80x128xf32, #tpu.memory_space<vmem>>) target(%dma_start3A_229 : memref<80x128xf32, #tpu.memory_space<hbm>>) target_semaphore(%run_scoped3A : memref<!tpu.dma_semaphore, #tpu.memory_space<semaphore_mem>>)
          %dma_wait3A_230 = arith.constant 0 : i32
          %dma_wait3A_231 = tpu.memref_slice %arg6[%add3A_218, %dma_wait3A_230] : memref<10240x128xf32, #tpu.memory_space<hbm>> -> memref<80x128xf32, #tpu.memory_space<hbm>>
          %dma_wait3A_232 = arith.constant 0 : i32
          %dma_wait3A_233 = tpu.memref_slice %arg6[%add3A_218, %dma_wait3A_232] : memref<10240x128xf32, #tpu.memory_space<hbm>> -> memref<80x128xf32, #tpu.memory_space<hbm>>
          tpu.wait_dma2 semaphore(%run_scoped3A : memref<!tpu.dma_semaphore, #tpu.memory_space<semaphore_mem>>) src(%arg12 : memref<80x128xf32, #tpu.memory_space<vmem>>) dst(%dma_wait3A_233 : memref<80x128xf32, #tpu.memory_space<hbm>>)
          tpu.yield
        }) : () -> ()
      } else {
      }
    }
    %scan3A_208 = arith.constant 8 : i32
    %mul3A_209 = arith.constant 10240 : i32
    %mul3A_210 = arith.muli %add3A, %mul3A_209 : i32
    %dma_wait3A_211 = tpu.memref_slice %arg7[%mul3A_210] : memref<327680xf32, #tpu.memory_space<hbm>> -> memref<10240xf32, #tpu.memory_space<hbm>>
    %dma_wait3A_212 = tpu.memref_slice %arg7[%mul3A_210] : memref<327680xf32, #tpu.memory_space<hbm>> -> memref<10240xf32, #tpu.memory_space<hbm>>
    tpu.wait_dma2 semaphore(%arg18 : memref<!tpu.dma_semaphore, #tpu.memory_space<semaphore_mem>>) src(%arg14 : memref<10240xf32, #tpu.memory_space<vmem>>) dst(%dma_wait3A_212 : memref<10240xf32, #tpu.memory_space<hbm>>)
    return
  }
}

module attributes {stable_mosaic.version = 14 : i64} {
  func.func @body(%arg0: i32, %arg1: memref<1024x128xf32, #tpu.memory_space<vmem>>, %arg2: memref<128x128xf32, #tpu.memory_space<vmem>>, %arg3: memref<1x128xf32, #tpu.memory_space<vmem>>, %arg4: memref<1024x128xf32, #tpu.memory_space<vmem>>, %arg5: memref<1024x128xf32, #tpu.memory_space<vmem>>, %arg6: memref<1024x32xf32, #tpu.memory_space<vmem>>, %arg7: memref<1024x128xf32, #tpu.memory_space<vmem>>) attributes {dimension_semantics = [#tpu.dimension_semantics<arbitrary>], iteration_bounds = array<i64: 10>, scalar_prefetch = 0 : i64, scratch_operands = 0 : i64, tpu.core_type = #tpu.core_type<tc>, window_params = [{transform_indices = @transform_0, window_bounds = array<i64: 1024, 128>}, {pipeline_mode = #tpu.pipeline_mode<synchronous>, transform_indices = @transform_1, window_bounds = array<i64: 128, 128>}, {pipeline_mode = #tpu.pipeline_mode<synchronous>, transform_indices = @transform_2, window_bounds = array<i64: 1, 128>}, {transform_indices = @transform_3, window_bounds = array<i64: 1024, 128>}, {transform_indices = @transform_4, window_bounds = array<i64: 1024, 128>}, {transform_indices = @transform_5, window_bounds = array<i64: 1024, 32>}, {transform_indices = @transform_6, window_bounds = array<i64: 1024, 128>}]} {
    %get3A = arith.constant 0 : index
    %get3A_0 = arith.constant 0 : index
    %get3A_1 = vector.load %arg4[%get3A, %get3A_0] : memref<1024x128xf32, #tpu.memory_space<vmem>>, vector<1024x128xf32>
    %get3A_2 = arith.constant 0 : index
    %get3A_3 = arith.constant 0 : index
    %get3A_4 = vector.load %arg5[%get3A_2, %get3A_3] : memref<1024x128xf32, #tpu.memory_space<vmem>>, vector<1024x128xf32>
    %add3A = arith.addf %get3A_1, %get3A_4 : vector<1024x128xf32>
    %get3A_5 = arith.constant 0 : index
    %get3A_6 = arith.constant 0 : index
    %get3A_7 = vector.load %arg6[%get3A_5, %get3A_6] : memref<1024x32xf32, #tpu.memory_space<vmem>>, vector<1024x32xf32>
    %reduce_sum3A = arith.constant dense<0.000000e+00> : vector<1024xf32>
    %reduce_sum3A_8 = vector.multi_reduction <add>, %get3A_7, %reduce_sum3A [1] : vector<1024x32xf32> to vector<1024xf32>
    %broadcast_in_dim3A = vector.shape_cast %reduce_sum3A_8 : vector<1024xf32> to vector<1024x1xf32>
    %gt3A = arith.constant 0.000000e+00 : f32
    %gt3A_9 = vector.broadcast %gt3A : f32 to vector<1024x1xf32>
    %gt3A_10 = arith.cmpf ogt, %broadcast_in_dim3A, %gt3A_9 : vector<1024x1xf32>
    %max3A = arith.constant 1.000000e+00 : f32
    %max3A_11 = vector.broadcast %max3A : f32 to vector<1024x1xf32>
    %max3A_12 = arith.maximumf %broadcast_in_dim3A, %max3A_11 : vector<1024x1xf32>
    %div3A = vector.broadcast %max3A_12 : vector<1024x1xf32> to vector<1024x128xf32>
    %div3A_13 = arith.divf %add3A, %div3A : vector<1024x128xf32>
    %get3A_14 = arith.constant 0 : index
    %get3A_15 = arith.constant 0 : index
    %get3A_16 = vector.load %arg1[%get3A_14, %get3A_15] : memref<1024x128xf32, #tpu.memory_space<vmem>>, vector<1024x128xf32>
    %broadcast_in_dim3A_17 = vector.shape_cast %gt3A_10 : vector<1024x1xi1> to vector<1024x1xi1>
    %broadcast_in_dim3A_18 = vector.broadcast %broadcast_in_dim3A_17 : vector<1024x1xi1> to vector<1024x128xi1>
    %select_n3A = arith.select %broadcast_in_dim3A_18, %div3A_13, %get3A_16 : vector<1024x128xi1>, vector<1024x128xf32>
    %get3A_19 = arith.constant 0 : index
    %get3A_20 = arith.constant 0 : index
    %get3A_21 = vector.load %arg2[%get3A_19, %get3A_20] : memref<128x128xf32, #tpu.memory_space<vmem>>, vector<128x128xf32>
    %dot_general3A = arith.constant dense<0.000000e+00> : vector<1024x128xf32>
    %dot_general3A_22 = tpu.matmul %select_n3A, %get3A_21, %dot_general3A {dimension_numbers = #tpu.dot_dimension_numbers<[1], [0], [0], [1], [0, 0, 1, 1], [], []>, precision = #tpu.contract_precision<fp32>, transpose_lhs_hint = false} : vector<1024x128xf32>, vector<128x128xf32>, vector<1024x128xf32> -> vector<1024x128xf32>
    %get3A_23 = arith.constant 0 : index
    %get3A_24 = arith.constant 0 : index
    %get3A_25 = vector.load %arg3[%get3A_23, %get3A_24] : memref<1x128xf32, #tpu.memory_space<vmem>>, vector<1x128xf32>
    %add3A_26 = vector.broadcast %get3A_25 : vector<1x128xf32> to vector<1024x128xf32>
    %add3A_27 = arith.addf %dot_general3A_22, %add3A_26 : vector<1024x128xf32>
    %swap3A = arith.constant 0 : index
    %swap3A_28 = arith.constant 0 : index
    %swap3A_29 = vector.load %arg7[%swap3A, %swap3A_28] : memref<1024x128xf32, #tpu.memory_space<vmem>>, vector<1024x128xf32>
    tpu.vector_store %arg7[%swap3A, %swap3A_28], %add3A_27 {strides = array<i32>} : memref<1024x128xf32, #tpu.memory_space<vmem>>, vector<1024x128xf32>,
    return
  }
  func.func @transform_0(%arg0: i32) -> (i32, i32) {
    %c0_i32 = arith.constant 0 : i32
    %c0_i32_0 = arith.constant 0 : i32
    return %arg0, %c0_i32 : i32, i32
  }
  func.func @transform_1(%arg0: i32) -> (i32, i32) {
    %c0_i32 = arith.constant 0 : i32
    %c0_i32_0 = arith.constant 0 : i32
    %c0_i32_1 = arith.constant 0 : i32
    return %c0_i32, %c0_i32_0 : i32, i32
  }
  func.func @transform_2(%arg0: i32) -> (i32, i32) {
    %c0_i32 = arith.constant 0 : i32
    %c0_i32_0 = arith.constant 0 : i32
    %c0_i32_1 = arith.constant 0 : i32
    return %c0_i32, %c0_i32_0 : i32, i32
  }
  func.func @transform_3(%arg0: i32) -> (i32, i32) {
    %c0_i32 = arith.constant 0 : i32
    %c0_i32_0 = arith.constant 0 : i32
    return %arg0, %c0_i32 : i32, i32
  }
  func.func @transform_4(%arg0: i32) -> (i32, i32) {
    %c0_i32 = arith.constant 0 : i32
    %c0_i32_0 = arith.constant 0 : i32
    return %arg0, %c0_i32 : i32, i32
  }
  func.func @transform_5(%arg0: i32) -> (i32, i32) {
    %c0_i32 = arith.constant 0 : i32
    %c0_i32_0 = arith.constant 0 : i32
    return %arg0, %c0_i32 : i32, i32
  }
  func.func @transform_6(%arg0: i32) -> (i32, i32) {
    %c0_i32 = arith.constant 0 : i32
    %c0_i32_0 = arith.constant 0 : i32
    return %arg0, %c0_i32 : i32, i32
  }
}

</mosaic_0001>

<sc_bundles>
// kernel: kernel.4.cloned.1.call-start
scs
__scs_entry_jumppad:
0x0: {  	(pc) =	sbr.rel $0x88, $3  }
0x1: {  	(tag) =	ssettag $0x0;
	lr =	simm.s32 $0x1  }
0x2: {  	[smem:$0x3F9D] =	sst lr;
	_ =	strace $0xD0000000  }
0x3: {  	_ = 	snop  }
0x4: {  	_ = 	snop  }
0x5: {  	_ = 	snop  }
0x6: {  	_ = 	snop  }
0x7: {  	_ = 	snop  }
__scs_overlays_trampoline_lowered:
0x8: {  	[smem:$0x3FAC] =	sst s0  }
0x9: {  	[smem:$0x3FAD] =	sst s1  }
0xa: {  	[smem:$0x3FAE] =	sst s2  }
0xb: {  	[smem:$0x3FAF] =	sst s3  }
0xc: {  	[smem:$0x3FB0] =	sst s4  }
0xd: {  	[smem:$0x3FB1] =	sst s5  }
0xe: {  	[smem:$0x3FB2] =	sst s6  }
0xf: {  	[smem:$0x3FB3] =	sst s7  }
0x10: {  	[smem:$0x3FB4] =	sst s8  }
0x11: {  	[smem:$0x3FB5] =	sst s9;
	s0 =	simm.s32 @!p0 $0x0  }
0x12: {  	s1 =	sld [smem:$0x3F9B];
	s0 =	simm.s32 @p0 $0x1  }
0x13: {  	[smem:$0x3FB6] =	sst s0;
	s0 =	simm.s32 @!p1 $0x0  }
0x14: {  	s2 =	sld [smem:$0x3F9A];
	s0 =	simm.s32 @p1 $0x1  }
0x15: {  	[smem:$0x3FB7] =	sst s0;
	s0 =	simm.s32 @!p2 $0x0  }
0x16: {  	s3 =	sld [smem:$0x3FDB];
	s0 =	simm.s32 @p2 $0x1  }
0x17: {  	s4 =	simm.s32 $0x1BF5;
	[smem:$0x3FB9] =	sst s0  }
0x18: {  	s0 =	sld [smem:$0x3F9C];
	_ =	swait.ge [sflag:s4], $0x0  }
0x19: {  	s7 =	sld [smem:$0x3F9D]  }
0x1a: {  	s8 =	sadd.s32 $0xFFFFE003, lr  }
0x1b: {  	s9 =	sadd.s32 $0xFFFFFEF7, lr;
	s5 =	simm.s32 $0xFFFFFFFF;
	p2 =	slt.u32 s8, $0xFFFFF086  }
0x1c: {  	p1 =	slt.u32 s9, $0xF7A;
	s5 =	simm.s32 @!p2 $0x0  }
0x1d: {  	s5 =	simm.s32 @p1 $0x1;
	p0 =	seq.s32 s7, s2  }
0x1e: {  	s7 =	smul.u32 @!p0 $0xF7A, s2;
	p2 =	seq.s32 @!p0 s5, $0x0  }
0x1f: {  	s9 =	smul.u32 $0xF7A, s1;
	s8 =	simm.s32 @!p0 $0x1BF5;
	p2 =	por !p2, p0  }
0x20: {  	[sflag:s8] =	ssyncset.s32 @!p0 $0xFFFFF086;
	s6 =	sadd.s32 @!p0 s3, s7;
	s7 =	simm.s32 @!p0 $0x108  }
0x21: {  	s3 =	sadd.s32 s3, s9;
	s6 =	sadd.s32 @!p0 $0x88, s6;
	s7 =	simm.s32 @p2 $0x1082  }
0x22: {  	[simem:s7], [sflag:s8] =	dma.local @!p0 [hbm:s6], $0xF7A  }
0x23: {  	s9 =	sor.u32 $0xD0000000, s2;
	s6 =	simm.s32 $0x108;
	_ =	swait.ge @!p0 [sflag:s8], $0x0  }
0x24: {  	s3 =	sadd.s32 $0x88, s3;
	s6 =	simm.s32 @!p1 $0x1082;
	[sflag:s4] =	ssyncset.s32 $0xFFFFF086  }
0x25: {  	[simem:s6], [sflag:s4] =	dma.local [hbm:s3], $0xF7A  }
0x26: {  	[smem:$0x3F9D] =	sst s1;
	(tag) =	ssettag s2;
	_ =	strace s9  }
0x27: {  	s1 =	sld [smem:$0x3FAD]  }
0x28: {  	s2 =	sld [smem:$0x3FAE]  }
0x29: {  	s4 =	sld [smem:$0x3FB0]  }
0x2a: {  	p0 =	seq.s32 s5, $0x0;
	s5 =	sld [smem:$0x3FB1]  }
0x2b: {  	s6 =	sld [smem:$0x3FB2]  }
0x2c: {  	s7 =	sld [smem:$0x3FB3]  }
0x2d: {  	s3 =	simm.s32 $0x108;
	s8 =	sld [smem:$0x3FB4]  }
0x2e: {  	s3 =	simm.s32 @!p0 $0x1082;
	s9 =	sld [smem:$0x3FB5]  }
0x2f: {  	lr =	sadd.s32 s0, s3;
	s0 =	sld [smem:$0x3FAC]  }
0x30: {  	s3 =	sld [smem:$0x3FAF]  }
0x31: {  	[smem:$0x3FB8] =	sst s10  }
0x32: {  	s10 =	sld [smem:$0x3FB6];
	_ =	sdelay $0x3  }
0x33: {  	p0 =	seq.s32 s10, $0x1;
	s10 =	sld [smem:$0x3FB8];
	_ =	sdelay $0x3  }
0x34: {  	[smem:$0x3FB8] =	sst s10  }
0x35: {  	s10 =	sld [smem:$0x3FB7];
	_ =	sdelay $0x3  }
0x36: {  	p1 =	seq.s32 s10, $0x1;
	s10 =	sld [smem:$0x3FB8];
	_ =	sdelay $0x3  }
0x37: {  	[smem:$0x3FB8] =	sst s10  }
0x38: {  	s10 =	sld [smem:$0x3FB9]  }
0x39: {  	_ = 	snop;
	(pc) =	sbr.ind lr, $3  }
0x3a: {  	_ = 	snop  }
0x3b: {  	_ = 	snop  }
0x3c: {  	p2 =	seq.s32 s10, $0x1;
	s10 =	sld [smem:$0x3FB8]  }
0x3d: {  	_ =	shalt  }
0x3e: {  	_ =	shalt  }
0x3f: {  	_ =	shalt  }
0x40: {  	_ =	shalt  }
0x41: {  	_ =	shalt  }
0x42: {  	_ =	shalt  }
0x43: {  	_ =	shalt  }
0x44: {  	_ =	shalt  }
0x45: {  	_ =	shalt  }
0x46: {  	_ =	shalt  }
0x47: {  	_ =	shalt  }
0x48: {  	_ =	shalt  }
0x49: {  	_ =	shalt  }
0x4a: {  	_ =	shalt  }
0x4b: {  	_ =	shalt  }
0x4c: {  	_ =	shalt  }
0x4d: {  	_ =	shalt  }
0x4e: {  	_ =	shalt  }
0x4f: {  	_ =	shalt  }
0x50: {  	_ =	shalt  }
0x51: {  	_ =	shalt  }
0x52: {  	_ =	shalt  }
0x53: {  	_ =	shalt  }
0x54: {  	_ =	shalt  }
0x55: {  	_ =	shalt  }
0x56: {  	_ =	shalt  }
0x57: {  	_ =	shalt  }
0x58: {  	_ =	shalt  }
0x59: {  	_ =	shalt  }
0x5a: {  	_ =	shalt  }
0x5b: {  	_ =	shalt  }
0x5c: {  	_ =	shalt  }
0x5d: {  	_ =	shalt  }
0x5e: {  	_ =	shalt  }
0x5f: {  	_ =	shalt  }
0x60: {  	_ =	shalt  }
0x61: {  	_ =	shalt  }
0x62: {  	_ =	shalt  }
0x63: {  	_ =	shalt  }
0x64: {  	_ =	shalt  }
0x65: {  	_ =	shalt  }
0x66: {  	_ =	shalt  }
0x67: {  	_ =	shalt  }
0x68: {  	_ =	shalt  }
0x69: {  	_ =	shalt  }
0x6a: {  	_ =	shalt  }
0x6b: {  	_ =	shalt  }
0x6c: {  	_ =	shalt  }
0x6d: {  	_ =	shalt  }
0x6e: {  	_ =	shalt  }
0x6f: {  	_ =	shalt  }
0x70: {  	_ =	shalt  }
0x71: {  	_ =	shalt  }
0x72: {  	_ =	shalt  }
0x73: {  	_ =	shalt  }
0x74: {  	_ =	shalt  }
0x75: {  	_ =	shalt  }
0x76: {  	_ =	shalt  }
0x77: {  	_ =	shalt  }
0x78: {  	_ =	shalt  }
0x79: {  	_ =	shalt  }
0x7a: {  	_ =	shalt  }
0x7b: {  	_ =	shalt  }
0x7c: {  	_ =	shalt  }
0x7d: {  	_ =	shalt  }
0x7e: {  	_ =	shalt  }
0x7f: {  	_ =	shalt  }
0x80: {  	_ =	shalt  }
0x81: {  	_ =	shalt  }
0x82: {  	_ =	shalt  }
0x83: {  	_ =	shalt  }
0x84: {  	_ =	shalt  }
0x85: {  	_ =	shalt  }
0x86: {  	_ =	shalt  }
0x87: {  	_ =	shalt  }
.Lfunc_end0:
.L_simem_size_0:
called_computation_lowered:
.L_overlay_start_0:
0x88: {  	s2 =	sld [smem:$0x3FD9]  }
0x89: {  	s3 =	sld [smem:$0x3FFE];
	_ =	sdelay $0x1  }
0x8a: {  	s1 =	srdreg.scid  }
0x8b: {  	s0 =	sand.u32 $0x1, s1  }
0x8c: {  	s17 =	sshll.u32 s0, $0xA;
	s2 =	sadd.s32 s3, s2  }
0x8d: {  	s2 =	sadd.s32 s2, s17  }
0x8e: {  	[smem:$0x3FC4] =	sst s2  }
0x8f: {  	_ = 	snop  }
0x90: {  	s2 =	sld [smem:$0x3FC9]  }
0x91: {  	s18 =	sld [smem:$0x3FD0];
	(tm) =	ssettm $0x1  }
0x92: {  	s4 =	sld [smem:$0x3FFB];
	_ =	sdelay $0x3  }
0x93: {  	_ =	strace s4  }
0x94: {  	s4 =	sld [smem:$0x3FFC];
	_ =	sdelay $0x3  }
0x95: {  	_ =	strace s4  }
0x96: {  	s4 =	sld [smem:$0x3FFD];
	_ =	sdelay $0x3  }
0x97: {  	_ =	strace s4  }
0x98: {  	_ =	strace $0x8FFFFFFF  }
0x99: {  	s19 =	sld [smem:$0x3FDB];
	_ =	sdelay $0x1  }
0x9a: {  	s5 =	simm.s32 $_scs_section_size  }
0x9b: {  	s6 =	simm.s32 $_size__tile_overlayer_lowered;
	s7 =	simm.s32 $_tile_overlayer_lowered  }
0x9c: {  	s22 =	simm.s32 $0x1BFF;
	s21 =	sshll.u32 s7, $0x1;
	s4 =	sadd.s32 s5, s19  }
0x9d: {  	s8 =	simm.s32 $0x0;
	s20 =	sshll.u32 s6, $0x1;
	s6 =	sadd.s32 s21, s4  }
0x9e: {  	[timem:s8], [sflag:s22] =	dma.local [hbm:s6], s20  }
0x9f: {  	_ =	swait.ge [sflag:s22], s20  }
0xa0: {  	s5 =	ssub.s32 $0x0, s20;
	[sflag:s22] =	ssyncset.done $0x0  }
0xa1: {  	[sflag:s22] =	ssyncadd.s32 s5;
	_ =	sdelay $0x1  }
0xa2: {  	s23 =	simm.s32 $0x1B8B  }
0xa3: {  	_ =	swait.ge [sflag:s23], $0x1  }
0xa4: {  	[sflag:s23] =	ssyncset.done $0x0  }
0xa5: {  	s25 =	simm.s32 $0x1B8E;
	s24 =	sld [smem:$0x3FFE];
	[sflag:s23] =	ssyncadd.s32 $0xFFFFFFFF  }
0xa6: {  	s26 =	simm.s32 $execute0_lowered;
	[smem:$0x3FD2] =	sst s25  }
0xa7: {  	s6 =	sshll.u32 s26, $0x1;
	_ =	strace $0x80000046;
	[dreg:$0x1] =	wrdreg $0xFFFFFFFF  }
0xa8: {  	s28 =	simm.s32 $_size_execute0_lowered;
	s4 =	sadd.s32 s4, s6;
	[dreg:$0x0] =	wrdreg $0x0  }
0xa9: {  	s6 =	sshll.u32 s28, $0x1;
	[dreg:$0x2] =	wrdreg s4  }
0xaa: {  	[dreg:$0x3] =	wrdreg s6  }
0xab: {  	[dreg:$0x4] =	wrdreg $0xC0  }
0xac: {  	_ =	task [dreg:s8], $0x5FFFF  }
0xad: {  	[dreg:$0x1] =	wrdreg $0xFFFFFFFF  }
0xae: {  	[dreg:$0x0] =	wrdreg $0x60  }
0xaf: {  	[dreg:$0x2] =	wrdreg s2  }
0xb0: {  	[dreg:$0x3] =	wrdreg s24  }
0xb1: {  	[dreg:$0x4] =	wrdreg s18  }
0xb2: {  	[dreg:$0x5] =	wrdreg $0x7A000  }
0xb3: {  	[dreg:$0x6] =	wrdreg $0x9  }
0xb4: {  	_ =	task.clear_ibuf [dreg:s8], $0x7FFFF;
	_ =	strace $0x90000046  }
0xb5: {  	s29 =	simm.s32 $0x9;
	_ =	strace $0x80000048  }
0xb6: {  	_ =	swait.ge [sflag:s29], $0x1  }
0xb7: {  	[sflag:s29] =	ssyncadd.s32 $0xFFFFFFFF  }
0xb8: {  	_ =	strace $0x90000048  }
0xb9: {  	_ =	sfence  }
0xba: {  	s30 =	sld [smem:$0x0];
	_ =	sdelay $0x2  }
0xbb: {  	s31 =	sshll.u32 s1, $0xD;
	s1 =	sshrl.u32 s1, $0x2  }
0xbc: {  	s3 =	sand.u32 $0x4000, s31;
	s1 =	sadd.s32 s1, s30  }
0xbd: {  	s0 =	sor.u32 s3, s0;
	s1 =	sshll.u32 s1, $0x11  }
0xbe: {  	s0 =	sor.u32 s1, s0  }
0xbf: {  	s0 =	sadd.s32 $0x8F2B, s0  }
0xc0: {  	[sflag:s0] =	ssyncadd.remote.s32 $0x1  }
0xc1: {  	_ =	sfence.sel $0xFFFF  }
0xc2: {  	[dreg:$0x0] =	wrdreg $0xFFFFFFFF;
	(pc) =	sbr.abs _section_cstart, $3  }
0xc3: {  	[dreg:$0x1] =	wrdreg $0xFFFFFFFF  }
0xc4: {  	_ =	task.clear_ibuf [dreg:s8], $0x2FFFF;
	_ =	strace $0x9FFFFFFF  }
0xc5: {  	(tm) =	ssettm $0x7FFFFFFF  }
tec
execute0_lowered:
.L_overlay_start_1:
0x0: {  	(tag) =	ssettag $0x1  }
0x1: {  	s0 =	srdreg.scid;
	s2 =	rddreg [dreg:$0x1]  }
0x2: {  	s18 =	stileid.u32;
	s3 =	rddreg [dreg:$0x2]  }
0x3: {  	s0 =	sand.u32 $0x1, s0;
	s9 =	sadd.s32 $0xAE00, s2;
	s30 =	smul.u32 $0x280, s18  }
0x4: {  	s10 =	sadd.s32 $0x1000, s2;
	s12 =	smul.u32 $0x2800, s18;
	s1 =	sshll.u32 s0, $0x4  }
0x5: {  	s5 =	ssub.s32 $0x2, s0;
	p0 =	seq.s32 s0, $0x0;
	s0 =	smul.u32 $0x4E20, s0  }
0x6: {  	s4 =	sor.u32 s18, s1;
	s1 =	simm.s32 $0x0;
	s7 =	sshrl.u32 s5, $0x1  }
0x7: {  	s13 =	sor.u32 $0x50, s30;
	s15 =	sadd.s32 $0x1E0, s30;
	s6 =	smul.u32 $0x4E2, s4  }
0x8: {  	[smem:$0x7FF] =	sst s1;
	s8 =	smul.u32 $0x2710, s4;
	s5 =	ssub.s32 s5, s7  }
0x9: {  	s4 =	smul.u32 $0x500, s4;
	s16 =	sshll.u32 s13, $0x4;
	s7 =	sadd.s32 $0x230, s30  }
0xa: {  	s23 =	sshll.u32 s15, $0x4;
	s11 =	sadd.s32 s9, s6;
	s8 =	sshrl.u32 s8, $0x3  }
0xb: {  	s3 =	sadd.s32 s3, s4;
	s6 =	sadd.s32 s10, s6;
	[dreg:$0x5] =	wrdreg s11  }
0xc: {  	s11 =	simm.s32 $0x14C00;
	[dreg:$0x6] =	wrdreg s3;
	s24 =	sadd.s32 $0xA, s8  }
0xd: {  	[dreg:$0xf] =	wrdreg s6;
	s25 =	sadd.s32 $0x4D8, s8;
	s8 =	sadd.s32 s0, s9  }
0xe: {  	s0 =	sadd.s32 s0, s10;
	s11 =	simm.s32 @!p0 $0x3CC00;
	s26 =	sadd.s32 s9, s24  }
0xf: {  	s28 =	sadd.s32 s9, s25;
	s29 =	sadd.s32 s10, s25;
	[dreg:$0x10] =	wrdreg s26  }
0x10: {  	s9 =	smul.u32 $0x50000, s18;
	s2 =	sadd.s32 s11, s2;
	[dreg:$0x12] =	wrdreg s28  }
0x11: {  	s11 =	sadd.s32 $0xF0, s30;
	[dreg:$0x13] =	wrdreg s29;
	s28 =	sshll.u32 s15, $0x7  }
0x12: {  	s15 =	simm.s32 $0x4;
	s17 =	sadd.s32 s2, s12;
	s3 =	sadd.s32 s2, s16  }
0x13: {  	s12 =	sadd.s32 $0x140, s30;
	s20 =	sshll.u32 s11, $0x4;
	[dreg:$0x7] =	wrdreg s17  }
0x14: {  	s16 =	sshll.u32 s7, $0x4;
	[dreg:$0x8] =	wrdreg s3;
	s14 =	sshll.u32 s12, $0x4  }
0x15: {  	s3 =	sadd.s32 $0xA0, s30;
	s17 =	rddreg [dreg:$0x0];
	s21 =	sadd.s32 s2, s14  }
0x16: {  	s25 =	sshll.u32 s12, $0x7;
	s19 =	sshll.u32 s3, $0x4;
	[dreg:$0xb] =	wrdreg s21  }
0x17: {  	s12 =	simm.s32 $0x180;
	s4 =	sadd.s32 s2, s19;
	s19 =	rddreg [dreg:$0x3]  }
0x18: {  	[dreg:$0x9] =	wrdreg s4;
	s4 =	sadd.s32 s2, s20;
	s29 =	sadd.s32 s28, s19  }
0x19: {  	[dreg:$0xa] =	wrdreg s4;
	s4 =	sadd.s32 $0x190, s30;
	s30 =	smul.u32 $0x4E2, s18  }
0x1a: {  	s18 =	sshll.u32 s3, $0x7;
	s22 =	sshll.u32 s4, $0x4;
	s26 =	sshll.u32 s4, $0x7  }
0x1b: {  	s14 =	sadd.s32 s2, s22;
	s20 =	sadd.s32 s30, s8;
	s21 =	sadd.s32 s30, s0  }
0x1c: {  	s30 =	sshll.u32 s7, $0x7;
	s7 =	simm.s32 $0x200;
	s8 =	simm.s32 $0x3  }
0x1d: {  	[dreg:$0xc] =	wrdreg s14;
	s14 =	sadd.s32 s2, s23;
	s2 =	sadd.s32 s2, s16  }
0x1e: {  	s16 =	sshll.u32 s13, $0x7;
	s23 =	sshll.u32 s11, $0x7;
	s31 =	sadd.s32 s30, s19  }
0x1f: {  	s11 =	simm.s32 $0x100;
	s13 =	simm.s32 $0x2A00;
	[dreg:$0xd] =	wrdreg s14  }
0x20: {  	[dreg:$0xe] =	wrdreg s2;
	s2 =	sadd.s32 s10, s24;
	s10 =	sshrl.u32 s9, $0x2  }
0x21: {  	s14 =	smax.u32 s5, $0x1;
	s0 =	sadd.s32 s16, s19;
	[dreg:$0x11] =	wrdreg s2  }
0x22: {  	s24 =	sadd.s32 s23, s19;
	_ =	strace $0x80000047;
	[dreg:$0x14] =	wrdreg s14  }
0x23: {  	s9 =	simm.s32 $0x80;
	s16 =	simm.s32 $0x5200;
	[dreg:$0x15] =	wrdreg s0  }
0x24: {  	s23 =	simm.s32 $0x2;
	s22 =	sadd.s32 s10, s19;
	[dreg:$0x17] =	wrdreg s24  }
0x25: {  	s10 =	simm.s32 $0x50;
	s0 =	sadd.s32 s18, s19;
	[dreg:$0x1a] =	wrdreg s29  }
0x26: {  	s18 =	sadd.s32 $0x2800, s22;
	s2 =	sadd.s32 $0x7800, s22;
	s3 =	sadd.s32 $0xA000, s22  }
0x27: {  	s4 =	sadd.s32 $0xC800, s22;
	s5 =	sadd.s32 $0xF000, s22;
	s6 =	sadd.s32 $0x11800, s22  }
0x28: {  	s14 =	simm.s32 $0x1;
	[dreg:$0x16] =	wrdreg s0;
	s0 =	sadd.s32 s25, s19  }
0x29: {  	s24 =	simm.s32 $0x5;
	[dreg:$0x18] =	wrdreg s0;
	s0 =	sadd.s32 s26, s19  }
0x2a: {  	v0 =	vimm.f32 $0.0e+00;
	v1 =	vimm.f32 $1.000000000e+00;
	s25 =	simm.s32 $0x0;
	[dreg:$0x19] =	wrdreg s0;
	s0 =	sadd.s32 $0x5000, s22  }
.LBB2_1:
0x2b: {  	s26 =	simm.s32 $0x0;
	s28 =	simm.s32 $0x200  }
.LBB2_2:
0x2c: {  	p1 =	sne.s32 s28, $0x9E00;
	[tilespmem:s26+$0x270] =	vst v0  }
0x2d: {  	[tilespmem:s26+$0x200] =	vst v0  }
0x2e: {  	[tilespmem:s26+$0x210] =	vst v0  }
.Ltmp0:
0x2f: {  	[tilespmem:s26+$0x220] =	vst v0;
	(pc) =	sbr.rel @p1 .LBB2_2-.Ltmp0, $4  }
0x30: {  	[tilespmem:s26+$0x230] =	vst v0  }
0x31: {  	[tilespmem:s26+$0x240] =	vst v0  }
0x32: {  	[tilespmem:s26+$0x250] =	vst v0  }
0x33: {  	[tilespmem:s26+$0x260] =	vst v0;
	s26 =	sshra.s32 s28, $0x2;
	s28 =	sadd.s32 $0x200, s28  }
0x34: {  	[tilespmem:s26+$0x270] =	vst v0  }
0x35: {  	[tilespmem:s26+$0x200] =	vst v0  }
0x36: {  	[tilespmem:s26+$0x210] =	vst v0  }
0x37: {  	[tilespmem:s26+$0x220] =	vst v0  }
0x38: {  	[tilespmem:s26+$0x230] =	vst v0  }
0x39: {  	[tilespmem:s26+$0x240] =	vst v0  }
0x3a: {  	[tilespmem:s26+$0x250] =	vst v0  }
0x3b: {  	[tilespmem:s26+$0x260] =	vst v0  }
0x3c: {  	[spmem:s22] =	stream.linear.scatter [tilespmem:s7], [sflag:$0x3], $0x2800, $0x38;
	[tilespmem:$0x1BA00] =	vst v63  }
0x3d: {  	_ = 	snop  }
0x3e: {  	[spmem:s18] =	stream.linear.scatter [tilespmem:s7], [sflag:$0x3], $0x2800, $0x38;
	[tilespmem:$0x1BA00] =	vst v63  }
0x3f: {  	_ = 	snop  }
0x40: {  	[spmem:s0] =	stream.linear.scatter [tilespmem:s7], [sflag:$0x3], $0x2800, $0x38;
	[tilespmem:$0x1BA00] =	vst v63  }
0x41: {  	_ = 	snop  }
0x42: {  	[spmem:s2] =	stream.linear.scatter [tilespmem:s7], [sflag:$0x3], $0x2800, $0x38;
	[tilespmem:$0x1BA00] =	vst v63  }
0x43: {  	_ = 	snop  }
0x44: {  	[spmem:s3] =	stream.linear.scatter [tilespmem:s7], [sflag:$0x3], $0x2800, $0x38;
	[tilespmem:$0x1BA00] =	vst v63  }
0x45: {  	_ = 	snop  }
0x46: {  	[spmem:s4] =	stream.linear.scatter [tilespmem:s7], [sflag:$0x3], $0x2800, $0x38;
	[tilespmem:$0x1BA00] =	vst v63  }
0x47: {  	_ = 	snop  }
0x48: {  	[spmem:s5] =	stream.linear.scatter [tilespmem:s7], [sflag:$0x3], $0x2800, $0x38;
	[tilespmem:$0x1BA00] =	vst v63  }
0x49: {  	s26 =	simm.s32 $0x40;
	s28 =	simm.s32 $0x0  }
0x4a: {  	[spmem:s6] =	stream.linear.scatter [tilespmem:s7], [sflag:$0x3], $0x2800, $0x38;
	[tilespmem:$0x1BA00] =	vst v63  }
.LBB2_4:
0x4b: {  	p1 =	sne.s32 s26, $0x9FC0;
	[tilespmem:s28+$0x5200] =	vst v0;
	s28 =	smov.u32 s26;
	s26 =	sadd.s32 $0x40, s26  }
.Ltmp1:
0x4c: {  	(pc) =	sbr.rel @p1 .LBB2_4-.Ltmp1, $2  }
0x4d: {  	_ =	sdelay $0x2  }
0x4e: {  	s28 =	sshra.s32 s28, $0x2  }
0x4f: {  	[tilespmem:s28+$0x5200] =	vst v0  }
0x50: {  	_ =	swait.ge [sflag:s8], $0x2800  }
0x51: {  	[sflag:s8] =	ssyncset.done $0x0  }
0x52: {  	[sflag:s8] =	ssyncadd.s32 $0xFFFFD800  }
0x53: {  	_ =	swait.ge [sflag:s8], $0x2800  }
0x54: {  	[sflag:s8] =	ssyncset.done $0x0  }
0x55: {  	[sflag:s8] =	ssyncadd.s32 $0xFFFFD800  }
0x56: {  	_ =	swait.ge [sflag:s8], $0x2800  }
0x57: {  	[sflag:s8] =	ssyncset.done $0x0  }
0x58: {  	[sflag:s8] =	ssyncadd.s32 $0xFFFFD800  }
0x59: {  	_ =	swait.ge [sflag:s8], $0x2800  }
0x5a: {  	[sflag:s8] =	ssyncset.done $0x0  }
0x5b: {  	[sflag:s8] =	ssyncadd.s32 $0xFFFFD800  }
0x5c: {  	_ =	swait.ge [sflag:s8], $0x2800  }
0x5d: {  	[sflag:s8] =	ssyncset.done $0x0  }
0x5e: {  	[sflag:s8] =	ssyncadd.s32 $0xFFFFD800  }
0x5f: {  	_ =	swait.ge [sflag:s8], $0x2800  }
0x60: {  	[sflag:s8] =	ssyncset.done $0x0  }
0x61: {  	[sflag:s8] =	ssyncadd.s32 $0xFFFFD800  }
0x62: {  	_ =	swait.ge [sflag:s8], $0x2800  }
0x63: {  	[sflag:s8] =	ssyncset.done $0x0  }
0x64: {  	[sflag:s8] =	ssyncadd.s32 $0xFFFFD800  }
0x65: {  	_ =	swait.ge [sflag:s8], $0x2800  }
0x66: {  	[sflag:s8] =	ssyncset.done $0x0  }
0x67: {  	[sflag:s8] =	ssyncadd.s32 $0xFFFFD800  }
0x68: {  	[bflag:$0x0] =	sbarrier.arrive $0xFFFF  }
0x69: {  	s26 =	simm.s32 $0x0;
	s29 =	rddreg [dreg:$0x5]  }
0x6a: {  	[tilespmem:s26], [sflag:$0x3] =	stream.linear.gather [hbm4b:s29+s26], $0x50, $0x38;
	[tilespmem:$0x1BA00] =	vst v63  }
0x6b: {  	s30 =	rddreg [dreg:$0xf]  }
0x6c: {  	[tilespmem:s9], [sflag:$0x3] =	stream.linear.gather [hbm4b:s30+s26], $0x50, $0x38;
	[tilespmem:$0x1BA00] =	vst v63  }
0x6d: {  	_ =	swait.ge [sflag:s8], $0x50  }
0x6e: {  	[sflag:s8] =	ssyncset.done $0x0  }
0x6f: {  	[sflag:s8] =	ssyncadd.s32 $0xFFFFFFB0  }
0x70: {  	_ =	swait.ge [sflag:s8], $0x50  }
0x71: {  	[sflag:s8] =	ssyncset.done $0x0  }
0x72: {  	[sflag:s8] =	ssyncadd.s32 $0xFFFFFFB0  }
0x73: {  	[tilespmem:s7], [sflag:$0x1] =	stream.indirect.gather [hbm4b:s17+s10], $0x80, s26, s10, $0xb8;
	[tilespmem:$0x1BA00] =	vst v63  }
0x74: {  	s29 =	rddreg [dreg:$0x10]  }
0x75: {  	[tilespmem:s11], [sflag:$0x3] =	stream.linear.gather [hbm4b:s29+s26], $0x50, $0x38;
	[tilespmem:$0x1BA00] =	vst v63  }
0x76: {  	s30 =	rddreg [dreg:$0x11]  }
0x77: {  	[tilespmem:s12], [sflag:$0x3] =	stream.linear.gather [hbm4b:s30+s26], $0x50, $0x38;
	[tilespmem:$0x1BA00] =	vst v63  }
0x78: {  	_ =	swait.ge [sflag:s8], $0x50  }
0x79: {  	[sflag:s8] =	ssyncset.done $0x0  }
0x7a: {  	[sflag:s8] =	ssyncadd.s32 $0xFFFFFFB0  }
0x7b: {  	_ =	swait.ge [sflag:s8], $0x50  }
0x7c: {  	[sflag:s8] =	ssyncset.done $0x0  }
0x7d: {  	[sflag:s8] =	ssyncadd.s32 $0xFFFFFFB0  }
0x7e: {  	[tilespmem:s13], [sflag:$0x2] =	stream.indirect.gather [hbm4b:s17+s10], $0x80, s11, s10, $0xb8;
	[tilespmem:$0x1BA00] =	vst v63  }
.LBB2_6:
0x7f: {  	_ =	swait.ge [sflag:s14], $0x2800  }
0x80: {  	[sflag:s14] =	ssyncset.done $0x0  }
0x81: {  	[sflag:s14] =	ssyncadd.s32 $0xFFFFD800  }
0x82: {  	[spmem:s19] =	stream.indirect.scatter.add.f32 [tilespmem:s7], [sflag:$0x4], $0x80, s9, s10, $0xb8;
	[tilespmem:$0x1BA00] =	vst v63  }
0x83: {  	_ =	swait.ge [sflag:s15], $0x2800  }
0x84: {  	[sflag:s15] =	ssyncset.done $0x0  }
0x85: {  	[sflag:s15] =	ssyncadd.s32 $0xFFFFD800  }
0x86: {  	v2 =	vld [tilespmem:$0x80];
	_ =	sdelay $0x7  }
0x87: {  	[tilespmem:v2+s16+$0x0] =	vst.idx.add.f32.msk $0xffff, v1  }
0x88: {  	v2 =	vld [tilespmem:$0x90];
	_ =	sdelay $0x7  }
0x89: {  	[tilespmem:v2+s16+$0x0] =	vst.idx.add.f32.msk $0xffff, v1  }
0x8a: {  	v2 =	vld [tilespmem:$0xA0];
	_ =	sdelay $0x7  }
0x8b: {  	[tilespmem:v2+s16+$0x0] =	vst.idx.add.f32.msk $0xffff, v1  }
0x8c: {  	v2 =	vld [tilespmem:$0xB0];
	_ =	sdelay $0x7  }
0x8d: {  	[tilespmem:v2+s16+$0x0] =	vst.idx.add.f32.msk $0xffff, v1  }
0x8e: {  	v2 =	vld [tilespmem:$0xC0];
	_ =	sdelay $0x6  }
0x8f: {  	s28 =	sadd.s32 s26, s20  }
0x90: {  	s29 =	sadd.s32 $0x14, s28;
	[tilespmem:v2+s16+$0x0] =	vst.idx.add.f32.msk $0xffff, v1  }
0x91: {  	[tilespmem:s1], [sflag:$0x3] =	stream.linear.gather [hbm4b:s29+s1], $0x50, $0x38;
	[tilespmem:$0x1BA00] =	vst v63  }
0x92: {  	s29 =	sadd.s32 s26, s21  }
0x93: {  	s30 =	sadd.s32 $0x14, s29  }
0x94: {  	[tilespmem:s9], [sflag:$0x3] =	stream.linear.gather [hbm4b:s30+s1], $0x50, $0x38;
	[tilespmem:$0x1BA00] =	vst v63  }
0x95: {  	_ =	swait.ge [sflag:s8], $0x50  }
0x96: {  	[sflag:s8] =	ssyncset.done $0x0  }
0x97: {  	[sflag:s8] =	ssyncadd.s32 $0xFFFFFFB0  }
0x98: {  	_ =	swait.ge [sflag:s8], $0x50  }
0x99: {  	[sflag:s8] =	ssyncset.done $0x0  }
0x9a: {  	[sflag:s8] =	ssyncadd.s32 $0xFFFFFFB0  }
0x9b: {  	[tilespmem:s7], [sflag:$0x1] =	stream.indirect.gather [hbm4b:s17+s10], $0x80, s1, s10, $0xb8;
	[tilespmem:$0x1BA00] =	vst v63  }
0x9c: {  	_ =	swait.ge [sflag:s23], $0x2800  }
0x9d: {  	[sflag:s23] =	ssyncset.done $0x0  }
0x9e: {  	[sflag:s23] =	ssyncadd.s32 $0xFFFFD800  }
0x9f: {  	[spmem:s19] =	stream.indirect.scatter.add.f32 [tilespmem:s13], [sflag:$0x4], $0x80, s12, s10, $0xb8;
	[tilespmem:$0x1BA00] =	vst v63  }
0xa0: {  	_ =	swait.ge [sflag:s15], $0x2800  }
0xa1: {  	[sflag:s15] =	ssyncset.done $0x0  }
0xa2: {  	[sflag:s15] =	ssyncadd.s32 $0xFFFFD800  }
0xa3: {  	v2 =	vld [tilespmem:$0x180];
	_ =	sdelay $0x7  }
0xa4: {  	[tilespmem:v2+s16+$0x0] =	vst.idx.add.f32.msk $0xffff, v1  }
0xa5: {  	v2 =	vld [tilespmem:$0x190];
	_ =	sdelay $0x7  }
0xa6: {  	[tilespmem:v2+s16+$0x0] =	vst.idx.add.f32.msk $0xffff, v1  }
0xa7: {  	v2 =	vld [tilespmem:$0x1A0];
	_ =	sdelay $0x7  }
0xa8: {  	[tilespmem:v2+s16+$0x0] =	vst.idx.add.f32.msk $0xffff, v1  }
0xa9: {  	v2 =	vld [tilespmem:$0x1B0];
	_ =	sdelay $0x7  }
0xaa: {  	[tilespmem:v2+s16+$0x0] =	vst.idx.add.f32.msk $0xffff, v1  }
0xab: {  	v2 =	vld [tilespmem:$0x1C0];
	_ =	sdelay $0x7  }
0xac: {  	s28 =	sadd.s32 $0x1E, s28;
	[tilespmem:v2+s16+$0x0] =	vst.idx.add.f32.msk $0xffff, v1  }
0xad: {  	[tilespmem:s11], [sflag:$0x3] =	stream.linear.gather [hbm4b:s28+s1], $0x50, $0x38;
	[tilespmem:$0x1BA00] =	vst v63  }
0xae: {  	s30 =	sadd.s32 $0x1E, s29  }
0xaf: {  	[tilespmem:s12], [sflag:$0x3] =	stream.linear.gather [hbm4b:s30+s1], $0x50, $0x38;
	[tilespmem:$0x1BA00] =	vst v63  }
0xb0: {  	_ =	swait.ge [sflag:s8], $0x50  }
0xb1: {  	p1 =	sne.s32 s26, $0x4B0;
	[sflag:s8] =	ssyncset.done $0x0  }
.Ltmp2:
0xb2: {  	[sflag:s8] =	ssyncadd.s32 $0xFFFFFFB0;
	(pc) =	sbr.rel @p1 .LBB2_6-.Ltmp2, $4  }
0xb3: {  	_ =	swait.ge [sflag:s8], $0x50  }
0xb4: {  	[sflag:s8] =	ssyncset.done $0x0  }
0xb5: {  	s26 =	sadd.s32 $0x14, s26;
	[sflag:s8] =	ssyncadd.s32 $0xFFFFFFB0  }
0xb6: {  	[tilespmem:s13], [sflag:$0x2] =	stream.indirect.gather [hbm4b:s17+s10], $0x80, s11, s10, $0xb8;
	[tilespmem:$0x1BA00] =	vst v63  }
0xb7: {  	_ =	swait.ge [sflag:s14], $0x2800  }
0xb8: {  	[sflag:s14] =	ssyncset.done $0x0  }
0xb9: {  	[sflag:s14] =	ssyncadd.s32 $0xFFFFD800  }
0xba: {  	[spmem:s19] =	stream.indirect.scatter.add.f32 [tilespmem:s7], [sflag:$0x4], $0x80, s9, s10, $0xb8;
	[tilespmem:$0x1BA00] =	vst v63  }
0xbb: {  	_ =	swait.ge [sflag:s15], $0x2800  }
0xbc: {  	[sflag:s15] =	ssyncset.done $0x0  }
0xbd: {  	[sflag:s15] =	ssyncadd.s32 $0xFFFFD800  }
0xbe: {  	v2 =	vld [tilespmem:$0x80];
	_ =	sdelay $0x7  }
0xbf: {  	[tilespmem:v2+s16+$0x0] =	vst.idx.add.f32.msk $0xffff, v1  }
0xc0: {  	v2 =	vld [tilespmem:$0x90];
	_ =	sdelay $0x7  }
0xc1: {  	[tilespmem:v2+s16+$0x0] =	vst.idx.add.f32.msk $0xffff, v1  }
0xc2: {  	v2 =	vld [tilespmem:$0xA0];
	_ =	sdelay $0x7  }
0xc3: {  	[tilespmem:v2+s16+$0x0] =	vst.idx.add.f32.msk $0xffff, v1  }
0xc4: {  	v2 =	vld [tilespmem:$0xB0];
	_ =	sdelay $0x7  }
0xc5: {  	[tilespmem:v2+s16+$0x0] =	vst.idx.add.f32.msk $0xffff, v1  }
0xc6: {  	v2 =	vld [tilespmem:$0xC0];
	_ =	sdelay $0x7  }
0xc7: {  	s26 =	rddreg [dreg:$0x12];
	[tilespmem:v2+s16+$0x0] =	vst.idx.add.f32.msk $0xffff, v1  }
0xc8: {  	[tilespmem:s1], [sflag:$0x3] =	stream.linear.gather [hbm4b:s26+s1], $0x50, $0x38;
	[tilespmem:$0x1BA00] =	vst v63  }
0xc9: {  	s30 =	rddreg [dreg:$0x13]  }
0xca: {  	[tilespmem:s9], [sflag:$0x3] =	stream.linear.gather [hbm4b:s30+s1], $0x50, $0x38;
	[tilespmem:$0x1BA00] =	vst v63  }
0xcb: {  	_ =	swait.ge [sflag:s8], $0x50  }
0xcc: {  	[sflag:s8] =	ssyncset.done $0x0  }
0xcd: {  	[sflag:s8] =	ssyncadd.s32 $0xFFFFFFB0  }
0xce: {  	_ =	swait.ge [sflag:s8], $0x50  }
0xcf: {  	[sflag:s8] =	ssyncset.done $0x0  }
0xd0: {  	[sflag:s8] =	ssyncadd.s32 $0xFFFFFFB0  }
0xd1: {  	[tilespmem:s7], [sflag:$0x1] =	stream.indirect.gather [hbm4b:s17+s10], $0x80, s1, s10, $0xb8;
	[tilespmem:$0x1BA00] =	vst v63  }
0xd2: {  	_ =	swait.ge [sflag:s23], $0x2800  }
0xd3: {  	[sflag:s23] =	ssyncset.done $0x0  }
0xd4: {  	[sflag:s23] =	ssyncadd.s32 $0xFFFFD800  }
0xd5: {  	[spmem:s19] =	stream.indirect.scatter.add.f32 [tilespmem:s13], [sflag:$0x4], $0x80, s12, s10, $0xb8;
	[tilespmem:$0x1BA00] =	vst v63  }
0xd6: {  	_ =	swait.ge [sflag:s15], $0x2800  }
0xd7: {  	[sflag:s15] =	ssyncset.done $0x0  }
0xd8: {  	[sflag:s15] =	ssyncadd.s32 $0xFFFFD800  }
0xd9: {  	v2 =	vld [tilespmem:$0x180];
	_ =	sdelay $0x7  }
0xda: {  	[tilespmem:v2+s16+$0x0] =	vst.idx.add.f32.msk $0xffff, v1  }
0xdb: {  	v2 =	vld [tilespmem:$0x190];
	_ =	sdelay $0x7  }
0xdc: {  	[tilespmem:v2+s16+$0x0] =	vst.idx.add.f32.msk $0xffff, v1  }
0xdd: {  	v2 =	vld [tilespmem:$0x1A0];
	_ =	sdelay $0x7  }
0xde: {  	[tilespmem:v2+s16+$0x0] =	vst.idx.add.f32.msk $0xffff, v1  }
0xdf: {  	v2 =	vld [tilespmem:$0x1B0];
	_ =	sdelay $0x7  }
0xe0: {  	[tilespmem:v2+s16+$0x0] =	vst.idx.add.f32.msk $0xffff, v1  }
0xe1: {  	v2 =	vld [tilespmem:$0x1C0];
	_ =	sdelay $0x7  }
0xe2: {  	[tilespmem:v2+s16+$0x0] =	vst.idx.add.f32.msk $0xffff, v1  }
0xe3: {  	_ =	swait.ge [sflag:s14], $0x2800  }
0xe4: {  	[sflag:s14] =	ssyncset.done $0x0  }
0xe5: {  	[sflag:s14] =	ssyncadd.s32 $0xFFFFD800  }
0xe6: {  	[spmem:s19] =	stream.indirect.scatter.add.f32 [tilespmem:s7], [sflag:$0x4], $0x80, s9, s10, $0xb8;
	[tilespmem:$0x1BA00] =	vst v63  }
0xe7: {  	_ =	swait.ge [sflag:s15], $0x2800  }
0xe8: {  	[sflag:s15] =	ssyncset.done $0x0  }
0xe9: {  	[sflag:s15] =	ssyncadd.s32 $0xFFFFD800  }
0xea: {  	v2 =	vld [tilespmem:$0x80];
	_ =	sdelay $0x7  }
0xeb: {  	[tilespmem:v2+s16+$0x0] =	vst.idx.add.f32.msk $0xffff, v1  }
0xec: {  	v2 =	vld [tilespmem:$0x90];
	_ =	sdelay $0x7  }
0xed: {  	[tilespmem:v2+s16+$0x0] =	vst.idx.add.f32.msk $0xffff, v1  }
0xee: {  	v2 =	vld [tilespmem:$0xA0];
	_ =	sdelay $0x7  }
0xef: {  	[tilespmem:v2+s16+$0x0] =	vst.idx.add.f32.msk $0xffff, v1  }
0xf0: {  	v2 =	vld [tilespmem:$0xB0];
	_ =	sdelay $0x7  }
0xf1: {  	[tilespmem:v2+s16+$0x0] =	vst.idx.add.f32.msk $0xffff, v1  }
0xf2: {  	v2 =	vld [tilespmem:$0xC0];
	_ =	sdelay $0x7  }
0xf3: {  	[tilespmem:v2+s16+$0x0] =	vst.idx.add.f32.msk $0xffff, v1  }
0xf4: {  	[bflag:$0x0] =	sbarrier.arrive $0xFFFF  }
0xf5: {  	s28 =	rddreg [dreg:$0x6]  }
0xf6: {  	[hbm4b:s28+s1] =	stream.linear.scatter [tilespmem:s16], [sflag:$0x3], $0x2800, $0x38;
	[tilespmem:$0x1BA00] =	vst v63  }
0xf7: {  	_ = 	snop  }
0xf8: {  	[tilespmem:s7], [sflag:$0x5] =	stream.linear.gather [spmem:s22], $0x2800, $0x38;
	[tilespmem:$0x1BA00] =	vst v63  }
0xf9: {  	_ =	swait.ge [sflag:s24], $0x2800  }
0xfa: {  	s26 =	simm.s32 $0x5;
	[sflag:s24] =	ssyncset.done $0x0  }
0xfb: {  	s26 =	simm.s32 @!p0 $0x4;
	s28 =	rddreg [dreg:$0x7];
	[sflag:s24] =	ssyncadd.s32 $0xFFFFD800  }
0xfc: {  	[hbm4b:s28+s1] =	stream.linear.scatter [tilespmem:s7], [sflag:s26], $0x2800, $0x38;
	[tilespmem:$0x1BA00] =	vst v63  }
0xfd: {  	_ =	swait.ge [sflag:s26], $0x2800  }
0xfe: {  	[sflag:s26] =	ssyncset.done $0x0  }
0xff: {  	s29 =	rddreg [dreg:$0x15];
	[sflag:s26] =	ssyncadd.s32 $0xFFFFD800  }
0x100: {  	[tilespmem:s7], [sflag:$0x5] =	stream.linear.gather [spmem:s29], $0x2800, $0x38;
	[tilespmem:$0x1BA00] =	vst v63  }
0x101: {  	_ =	swait.ge [sflag:s24], $0x2800  }
0x102: {  	[sflag:s24] =	ssyncset.done $0x0  }
0x103: {  	s30 =	rddreg [dreg:$0x8];
	[sflag:s24] =	ssyncadd.s32 $0xFFFFD800  }
0x104: {  	[hbm4b:s30+s1] =	stream.linear.scatter [tilespmem:s7], [sflag:s26], $0x2800, $0x38;
	[tilespmem:$0x1BA00] =	vst v63  }
0x105: {  	_ =	swait.ge [sflag:s26], $0x2800  }
0x106: {  	[sflag:s26] =	ssyncset.done $0x0  }
0x107: {  	s29 =	rddreg [dreg:$0x16];
	[sflag:s26] =	ssyncadd.s32 $0xFFFFD800  }
0x108: {  	[tilespmem:s7], [sflag:$0x5] =	stream.linear.gather [spmem:s29], $0x2800, $0x38;
	[tilespmem:$0x1BA00] =	vst v63  }
0x109: {  	_ =	swait.ge [sflag:s24], $0x2800  }
0x10a: {  	[sflag:s24] =	ssyncset.done $0x0  }
0x10b: {  	s30 =	rddreg [dreg:$0x9];
	[sflag:s24] =	ssyncadd.s32 $0xFFFFD800  }
0x10c: {  	[hbm4b:s30+s1] =	stream.linear.scatter [tilespmem:s7], [sflag:s26], $0x2800, $0x38;
	[tilespmem:$0x1BA00] =	vst v63  }
0x10d: {  	_ =	swait.ge [sflag:s26], $0x2800  }
0x10e: {  	[sflag:s26] =	ssyncset.done $0x0  }
0x10f: {  	s29 =	rddreg [dreg:$0x17];
	[sflag:s26] =	ssyncadd.s32 $0xFFFFD800  }
0x110: {  	[tilespmem:s7], [sflag:$0x5] =	stream.linear.gather [spmem:s29], $0x2800, $0x38;
	[tilespmem:$0x1BA00] =	vst v63  }
0x111: {  	_ =	swait.ge [sflag:s24], $0x2800  }
0x112: {  	[sflag:s24] =	ssyncset.done $0x0  }
0x113: {  	s30 =	rddreg [dreg:$0xa];
	[sflag:s24] =	ssyncadd.s32 $0xFFFFD800  }
0x114: {  	[hbm4b:s30+s1] =	stream.linear.scatter [tilespmem:s7], [sflag:s26], $0x2800, $0x38;
	[tilespmem:$0x1BA00] =	vst v63  }
0x115: {  	_ =	swait.ge [sflag:s26], $0x2800  }
0x116: {  	[sflag:s26] =	ssyncset.done $0x0  }
0x117: {  	s29 =	rddreg [dreg:$0x18];
	[sflag:s26] =	ssyncadd.s32 $0xFFFFD800  }
0x118: {  	[tilespmem:s7], [sflag:$0x5] =	stream.linear.gather [spmem:s29], $0x2800, $0x38;
	[tilespmem:$0x1BA00] =	vst v63  }
0x119: {  	_ =	swait.ge [sflag:s24], $0x2800  }
0x11a: {  	[sflag:s24] =	ssyncset.done $0x0  }
0x11b: {  	s30 =	rddreg [dreg:$0xb];
	[sflag:s24] =	ssyncadd.s32 $0xFFFFD800  }
0x11c: {  	[hbm4b:s30+s1] =	stream.linear.scatter [tilespmem:s7], [sflag:s26], $0x2800, $0x38;
	[tilespmem:$0x1BA00] =	vst v63  }
0x11d: {  	_ =	swait.ge [sflag:s26], $0x2800  }
0x11e: {  	[sflag:s26] =	ssyncset.done $0x0  }
0x11f: {  	s29 =	rddreg [dreg:$0x19];
	[sflag:s26] =	ssyncadd.s32 $0xFFFFD800  }
0x120: {  	[tilespmem:s7], [sflag:$0x5] =	stream.linear.gather [spmem:s29], $0x2800, $0x38;
	[tilespmem:$0x1BA00] =	vst v63  }
0x121: {  	_ =	swait.ge [sflag:s24], $0x2800  }
0x122: {  	[sflag:s24] =	ssyncset.done $0x0  }
0x123: {  	s30 =	rddreg [dreg:$0xc];
	[sflag:s24] =	ssyncadd.s32 $0xFFFFD800  }
0x124: {  	[hbm4b:s30+s1] =	stream.linear.scatter [tilespmem:s7], [sflag:s26], $0x2800, $0x38;
	[tilespmem:$0x1BA00] =	vst v63  }
0x125: {  	_ =	swait.ge [sflag:s26], $0x2800  }
0x126: {  	[sflag:s26] =	ssyncset.done $0x0  }
0x127: {  	s29 =	rddreg [dreg:$0x1a];
	[sflag:s26] =	ssyncadd.s32 $0xFFFFD800  }
0x128: {  	[tilespmem:s7], [sflag:$0x5] =	stream.linear.gather [spmem:s29], $0x2800, $0x38;
	[tilespmem:$0x1BA00] =	vst v63  }
0x129: {  	_ =	swait.ge [sflag:s24], $0x2800  }
0x12a: {  	[sflag:s24] =	ssyncset.done $0x0  }
0x12b: {  	s30 =	rddreg [dreg:$0xd];
	[sflag:s24] =	ssyncadd.s32 $0xFFFFD800  }
0x12c: {  	[hbm4b:s30+s1] =	stream.linear.scatter [tilespmem:s7], [sflag:s26], $0x2800, $0x38;
	[tilespmem:$0x1BA00] =	vst v63  }
0x12d: {  	_ =	swait.ge [sflag:s26], $0x2800  }
0x12e: {  	[sflag:s26] =	ssyncset.done $0x0  }
0x12f: {  	[sflag:s26] =	ssyncadd.s32 $0xFFFFD800  }
0x130: {  	[tilespmem:s7], [sflag:$0x5] =	stream.linear.gather [spmem:s31], $0x2800, $0x38;
	[tilespmem:$0x1BA00] =	vst v63  }
0x131: {  	_ =	swait.ge [sflag:s24], $0x2800  }
0x132: {  	[sflag:s24] =	ssyncset.done $0x0  }
0x133: {  	s29 =	rddreg [dreg:$0xe];
	[sflag:s24] =	ssyncadd.s32 $0xFFFFD800  }
0x134: {  	[hbm4b:s29+s1] =	stream.linear.scatter [tilespmem:s7], [sflag:s26], $0x2800, $0x38;
	[tilespmem:$0x1BA00] =	vst v63  }
0x135: {  	_ =	swait.ge [sflag:s26], $0x2800  }
0x136: {  	[sflag:s26] =	ssyncset.done $0x0  }
0x137: {  	[sflag:s26] =	ssyncadd.s32 $0xFFFFD800  }
0x138: {  	_ =	swait.ge [sflag:s8], $0x2800  }
0x139: {  	s25 =	sadd.s32 $0x1, s25;
	s30 =	rddreg [dreg:$0x14]  }
0x13a: {  	p1 =	sne.s32 s25, s30  }
.Ltmp3:
0x13b: {  	_ = 	snop;
	(pc) =	sbr.rel @p1 .LBB2_1-.Ltmp3, $3  }
0x13c: {  	_ =	sdelay $0x1  }
0x13d: {  	[sflag:s8] =	ssyncset.done $0x0  }
0x13e: {  	[sflag:s8] =	ssyncadd.s32 $0xFFFFD800  }
0x13f: {  	_ =	sfence.sel $0x180000  }
0x140: {  	[bflag:$0x0] =	sbarrier.arrive $0xFFFF  }
0x141: {  	_ =	strace $0x90000047  }
0x142: {  	s0 =	stileid.u32;
	[bflag:$0x2] =	sbarrier.arrive $0xFFFF  }
0x143: {  	p0 =	sne.s32 s0, $0x0;
	s0 =	rddreg [dreg:$0x4]  }
0x144: {  	s0 =	sadd.s32 @!p0 $0x100000, s0  }
0x145: {  	[sflag:s0] =	ssyncadd.tile.s32 @!p0 $0x1;
	_ =	shalt  }
.Lfunc_end2:
_tile_overlayer_lowered:
.L_overlay_start_2:
0x146: {  	(tag) =	ssettag $0x2  }
0x147: {  	s0 =	rddreg [dreg:$0x0];
	s2 =	stileid.u32  }
0x148: {  	s1 =	rddreg [dreg:$0x1];
	p0 =	sne.s32 s2, $0x0  }
0x149: {  	s3 =	rddreg [dreg:$0x2];
	[bflag:$0x3] =	sbarrier.arrive $0xFFFF;
	s2 =	simm.s32 @!p0 $0x1C04  }
0x14a: {  	[timem:s3], [sflag:s2] =	dma.local @!p0 [hbm:s0], s1  }
0x14b: {  	s0 =	simm.s32 @!p0 $0x4  }
0x14c: {  	_ =	swait.ge @!p0 [sflag:s0], s1  }
0x14d: {  	s1 =	ssub.s32 @!p0 $0x0, s1;
	[sflag:s0] =	ssyncset.done @!p0 $0x0  }
0x14e: {  	[sflag:s0] =	ssyncadd.s32 @!p0 s1  }
0x14f: {  	[bflag:$0x3] =	sbarrier.arrive $0xFFFF  }
0x150: {  	_ =	shalt  }

</sc_bundles>
